<compile_context>
chip_gen: v7x
topology: tpu7x:2x2x1
jax: 0.10.2.dev20260603
libtpu: 0.0.44.dev20260713+nightly
codegen_flags: <defaults>
</compile_context>

<pallas_src>
import functools

import jax
import jax.numpy as jnp
from jax import lax
from jax.experimental import pallas as pl
from jax.experimental.pallas import tpu as pltpu
from jax.experimental.pallas import tpu_sc as plsc

D = 64
MARGIN = 1.0
LANES = 16


@functools.cache
def _make_score_kernel(B: int):
    NC, NS = 2, 16
    NW = NC * NS
    W = B // NW
    CH = 64
    NCHUNK = W // CH

    mesh = plsc.VectorSubcoreMesh(core_axis_name="c", subcore_axis_name="s")

    @functools.partial(
        pl.kernel,
        mesh=mesh,
        compiler_params=pltpu.CompilerParams(
            needs_layout_passes=False, use_tc_tiling_on_sc=False),
        out_type=jax.ShapeDtypeStruct((NW * LANES,), jnp.float32),
        scratch_types=[
            pltpu.VMEM((6, W), jnp.int32),
            pltpu.VMEM((6, CH, 2 * D), jnp.float32),
            pltpu.VMEM((LANES, LANES), jnp.float32),
            pltpu.VMEM((LANES,), jnp.float32),
            pltpu.SemaphoreType.DMA,
        ],
    )
    def k(ph, pr, pt, nh, nr, nt, entf, relf,
          out, idx_v, rows_v, part_v, res_v, sem):
        wid = lax.axis_index("s") * NC + lax.axis_index("c")
        base = wid * W

        for j, src in enumerate((ph, pr, pt, nh, nr, nt)):
            pltpu.sync_copy(src.at[pl.ds(base, W)], idx_v.at[j])

        plan = ((entf, 0), (relf, 1), (entf, 2),
                (entf, 3), (relf, 4), (entf, 5))

        def score(i, h_slot, r_slot, t_slot):
            p = jnp.zeros((LANES,), jnp.float32)
            for kk in range(D // LANES):
                re = pl.ds(kk * LANES, LANES)
                im = pl.ds(D + kk * LANES, LANES)
                hr = rows_v[h_slot, i, re]
                hi = rows_v[h_slot, i, im]
                rr = rows_v[r_slot, i, re]
                ri = rows_v[r_slot, i, im]
                tr = rows_v[t_slot, i, re]
                ti = rows_v[t_slot, i, im]
                p = p + rr * (hr * tr + hi * ti) + ri * (hr * ti - hi * tr)
            return p

        lane = lax.iota(jnp.int32, LANES)

        def pair_body(ii, g):
            i = g * LANES + ii
            part_v[ii, :] = score(i, 3, 4, 5) - score(i, 0, 1, 2)
            return g

        def group_body(g, acc):
            lax.fori_loop(0, LANES, pair_body, g)
            s = jnp.zeros((LANES,), jnp.float32)
            for j in range(LANES):
                s = s + plsc.load_gather(
                    part_v, [lane, jnp.full((LANES,), j, jnp.int32)])
            return acc + jnp.maximum(s + MARGIN, 0.0)

        def chunk_body(c, acc):
            copies = [
                pltpu.async_copy(
                    tbl.at[idx_v.at[jslot, pl.ds(c * CH, CH)]],
                    rows_v.at[slot], sem)
                for slot, (tbl, jslot) in enumerate(plan)
            ]
            for cp in copies:
                cp.wait()
            return lax.fori_loop(0, CH // LANES, group_body, acc)

        acc = lax.fori_loop(0, NCHUNK, chunk_body,
                            jnp.zeros((LANES,), jnp.float32))

        res_v[...] = acc
        pltpu.sync_copy(res_v, out.at[pl.ds(wid * LANES, LANES)])

    return k


def kernel(pos_exmpl, neg_exmpl, ent_real, ent_imag, rel_real, rel_imag):
    B = pos_exmpl.shape[1]
    entf = jnp.concatenate([ent_real, ent_imag], axis=1)
    relf = jnp.concatenate([rel_real, rel_imag], axis=1)
    k = _make_score_kernel(B)
    out = k(pos_exmpl[0], pos_exmpl[1], pos_exmpl[2],
            neg_exmpl[0], neg_exmpl[1], neg_exmpl[2],
            entf, relf)
    return jnp.sum(out)

# --- scband reference (transcript-rebuilt; emitter-appended) ---
"""Pipeline reference for scband-compl-ex-31585189495140 (READ-ONLY COPY).

The authoritative reference and input builder live on the scoring server;
editing this copy changes nothing except your own understanding.
"""

import jax, jax.numpy as jnp
import numpy as np

N_ENT = 1000000
N_REL = 1000000
D = 64
B = 16384
MARGIN = 1.0


def setup_inputs(seed: int = 0) -> dict:
    key = jax.random.key(seed)
    k = jax.random.split(key, 6)
    pos_exmpl = jax.random.randint(k[0], (3, B), 0, N_ENT, dtype=jnp.int32)
    neg_exmpl = jax.random.randint(k[1], (3, B), 0, N_ENT, dtype=jnp.int32)
    ent_real = jax.random.normal(k[2], (N_ENT, D), dtype=jnp.float32)
    ent_imag = jax.random.normal(k[3], (N_ENT, D), dtype=jnp.float32)
    rel_real = jax.random.normal(k[4], (N_REL, D), dtype=jnp.float32)
    rel_imag = jax.random.normal(k[5], (N_REL, D), dtype=jnp.float32)
    return {"pos_exmpl": pos_exmpl, "neg_exmpl": neg_exmpl,
            "ent_real": ent_real, "ent_imag": ent_imag,
            "rel_real": rel_real, "rel_imag": rel_imag}


def _calc_score(h_r, r_r, t_r, h_i, r_i, t_i):
    return jnp.sum(r_r * h_r * t_r + r_r * h_i * t_i + r_i * h_r * t_i - r_i * h_i * t_r, axis=1)


def reference(pos_exmpl, neg_exmpl, ent_real, ent_imag, rel_real, rel_imag):
    ph, pr, pt = pos_exmpl[0], pos_exmpl[1], pos_exmpl[2]
    nh, nr, nt = neg_exmpl[0], neg_exmpl[1], neg_exmpl[2]
    pos_score = _calc_score(
        jnp.take(ent_real, ph, axis=0), jnp.take(rel_real, pr, axis=0), jnp.take(ent_real, pt, axis=0),
        jnp.take(ent_imag, ph, axis=0), jnp.take(rel_imag, pr, axis=0), jnp.take(ent_imag, pt, axis=0))
    neg_score = _calc_score(
        jnp.take(ent_real, nh, axis=0), jnp.take(rel_real, nr, axis=0), jnp.take(ent_real, nt, axis=0),
        jnp.take(ent_imag, nh, axis=0), jnp.take(rel_imag, nr, axis=0), jnp.take(ent_imag, nt, axis=0))
    # MarginRankingLoss(margin=MARGIN, size_average=False) with y = 1:
    # loss = sum(max(0, -y*(pos - neg) + margin))
    loss = jnp.sum(jnp.maximum(0.0, -(pos_score - neg_score) + MARGIN))
    return loss

if __name__ == "__main__":
    import jax
    _d = setup_inputs()
    print(jax.jit(kernel)(*tuple(_d.values())))

</pallas_src>

<mosaic_0001>
#map = affine_map<(d0, d1) -> (0)>
#map1 = affine_map<(d0, d1) -> (0, 0)>
module attributes {stable_mosaic.version = 14 : i64} {
  func.func @k(%arg0: i32, %arg1: i32, %arg2: memref<16384xi32, #tpu.memory_space<hbm>>, %arg3: memref<16384xi32, #tpu.memory_space<hbm>>, %arg4: memref<16384xi32, #tpu.memory_space<hbm>>, %arg5: memref<16384xi32, #tpu.memory_space<hbm>>, %arg6: memref<16384xi32, #tpu.memory_space<hbm>>, %arg7: memref<16384xi32, #tpu.memory_space<hbm>>, %arg8: memref<1000000x128xf32, #tpu.memory_space<hbm>>, %arg9: memref<1000000x128xf32, #tpu.memory_space<hbm>>, %arg10: memref<512xf32, #tpu.memory_space<hbm>>, %arg11: memref<6x512xi32, #tpu.memory_space<vmem>>, %arg12: memref<6x64x128xf32, #tpu.memory_space<vmem>>, %arg13: memref<16x16xf32, #tpu.memory_space<vmem>>, %arg14: memref<16xf32, #tpu.memory_space<vmem>>, %arg15: memref<!tpu.dma_semaphore, #tpu.memory_space<semaphore_mem>>) attributes {dimension_semantics = [#tpu.dimension_semantics<core_parallel>, #tpu.dimension_semantics<subcore_parallel>], iteration_bounds = array<i64: 2, 16>, scalar_prefetch = 0 : i64, scratch_operands = 5 : i64, tpu.core_type = #tpu.core_type<sc_vector_subcore>, window_params = [{transform_indices = #map}, {transform_indices = #map}, {transform_indices = #map}, {transform_indices = #map}, {transform_indices = #map}, {transform_indices = #map}, {transform_indices = #map1}, {transform_indices = #map1}, {transform_indices = #map}]} {
    %mul3A = arith.constant 2 : i32
    %mul3A_0 = arith.muli %arg1, %mul3A : i32
    %add3A = arith.addi %mul3A_0, %arg0 : i32
    %mul3A_1 = arith.constant 512 : i32
    %mul3A_2 = arith.muli %add3A, %mul3A_1 : i32
    %run_scoped3A = arith.constant 0 : i32
    "tpu.region"() ({
      %run_scoped3A_17 = tpu.sem_alloc : memref<!tpu.dma_semaphore, #tpu.memory_space<semaphore_mem>>
      %dma_start3A = arith.constant 0 : i32
      %dma_start3A_18 = tpu.memref_slice %arg11[%run_scoped3A, %dma_start3A] : memref<6x512xi32, #tpu.memory_space<vmem>> -> memref<1x512xi32, #tpu.memory_space<vmem>>
      %dma_start3A_19 = tpu.memref_squeeze %dma_start3A_18 : memref<1x512xi32, #tpu.memory_space<vmem>> -> memref<512xi32, #tpu.memory_space<vmem>>
      %dma_start3A_20 = tpu.memref_slice %arg2[%mul3A_2] : memref<16384xi32, #tpu.memory_space<hbm>> -> memref<512xi32, #tpu.memory_space<hbm>>
      %dma_start3A_21 = arith.constant 0 : i32
      %dma_start3A_22 = tpu.memref_slice %arg11[%run_scoped3A, %dma_start3A_21] : memref<6x512xi32, #tpu.memory_space<vmem>> -> memref<1x512xi32, #tpu.memory_space<vmem>>
      %dma_start3A_23 = tpu.memref_squeeze %dma_start3A_22 : memref<1x512xi32, #tpu.memory_space<vmem>> -> memref<512xi32, #tpu.memory_space<vmem>>
      %dma_start3A_24 = tpu.memref_slice %arg2[%mul3A_2] : memref<16384xi32, #tpu.memory_space<hbm>> -> memref<512xi32, #tpu.memory_space<hbm>>
      tpu.enqueue_dma source(%dma_start3A_24 : memref<512xi32, #tpu.memory_space<hbm>>) target(%dma_start3A_23 : memref<512xi32, #tpu.memory_space<vmem>>) target_semaphore(%run_scoped3A_17 : memref<!tpu.dma_semaphore, #tpu.memory_space<semaphore_mem>>)
      %dma_wait3A = arith.constant 0 : i32
      %dma_wait3A_25 = tpu.memref_slice %arg11[%run_scoped3A, %dma_wait3A] : memref<6x512xi32, #tpu.memory_space<vmem>> -> memref<1x512xi32, #tpu.memory_space<vmem>>
      %dma_wait3A_26 = tpu.memref_squeeze %dma_wait3A_25 : memref<1x512xi32, #tpu.memory_space<vmem>> -> memref<512xi32, #tpu.memory_space<vmem>>
      %dma_wait3A_27 = tpu.memref_slice %arg2[%mul3A_2] : memref<16384xi32, #tpu.memory_space<hbm>> -> memref<512xi32, #tpu.memory_space<hbm>>
      %dma_wait3A_28 = arith.constant 0 : i32
      %dma_wait3A_29 = tpu.memref_slice %arg11[%run_scoped3A, %dma_wait3A_28] : memref<6x512xi32, #tpu.memory_space<vmem>> -> memref<1x512xi32, #tpu.memory_space<vmem>>
      %dma_wait3A_30 = tpu.memref_squeeze %dma_wait3A_29 : memref<1x512xi32, #tpu.memory_space<vmem>> -> memref<512xi32, #tpu.memory_space<vmem>>
      %dma_wait3A_31 = tpu.memref_slice %arg2[%mul3A_2] : memref<16384xi32, #tpu.memory_space<hbm>> -> memref<512xi32, #tpu.memory_space<hbm>>
      tpu.wait_dma2 semaphore(%run_scoped3A_17 : memref<!tpu.dma_semaphore, #tpu.memory_space<semaphore_mem>>) src(%dma_wait3A_31 : memref<512xi32, #tpu.memory_space<hbm>>) dst(%dma_wait3A_30 : memref<512xi32, #tpu.memory_space<vmem>>)
      tpu.yield
    }) : () -> ()
    %run_scoped3A_3 = arith.constant 1 : i32
    "tpu.region"() ({
      %run_scoped3A_17 = tpu.sem_alloc : memref<!tpu.dma_semaphore, #tpu.memory_space<semaphore_mem>>
      %dma_start3A = arith.constant 0 : i32
      %dma_start3A_18 = tpu.memref_slice %arg11[%run_scoped3A_3, %dma_start3A] : memref<6x512xi32, #tpu.memory_space<vmem>> -> memref<1x512xi32, #tpu.memory_space<vmem>>
      %dma_start3A_19 = tpu.memref_squeeze %dma_start3A_18 : memref<1x512xi32, #tpu.memory_space<vmem>> -> memref<512xi32, #tpu.memory_space<vmem>>
      %dma_start3A_20 = tpu.memref_slice %arg3[%mul3A_2] : memref<16384xi32, #tpu.memory_space<hbm>> -> memref<512xi32, #tpu.memory_space<hbm>>
      %dma_start3A_21 = arith.constant 0 : i32
      %dma_start3A_22 = tpu.memref_slice %arg11[%run_scoped3A_3, %dma_start3A_21] : memref<6x512xi32, #tpu.memory_space<vmem>> -> memref<1x512xi32, #tpu.memory_space<vmem>>
      %dma_start3A_23 = tpu.memref_squeeze %dma_start3A_22 : memref<1x512xi32, #tpu.memory_space<vmem>> -> memref<512xi32, #tpu.memory_space<vmem>>
      %dma_start3A_24 = tpu.memref_slice %arg3[%mul3A_2] : memref<16384xi32, #tpu.memory_space<hbm>> -> memref<512xi32, #tpu.memory_space<hbm>>
      tpu.enqueue_dma source(%dma_start3A_24 : memref<512xi32, #tpu.memory_space<hbm>>) target(%dma_start3A_23 : memref<512xi32, #tpu.memory_space<vmem>>) target_semaphore(%run_scoped3A_17 : memref<!tpu.dma_semaphore, #tpu.memory_space<semaphore_mem>>)
      %dma_wait3A = arith.constant 0 : i32
      %dma_wait3A_25 = tpu.memref_slice %arg11[%run_scoped3A_3, %dma_wait3A] : memref<6x512xi32, #tpu.memory_space<vmem>> -> memref<1x512xi32, #tpu.memory_space<vmem>>
      %dma_wait3A_26 = tpu.memref_squeeze %dma_wait3A_25 : memref<1x512xi32, #tpu.memory_space<vmem>> -> memref<512xi32, #tpu.memory_space<vmem>>
      %dma_wait3A_27 = tpu.memref_slice %arg3[%mul3A_2] : memref<16384xi32, #tpu.memory_space<hbm>> -> memref<512xi32, #tpu.memory_space<hbm>>
      %dma_wait3A_28 = arith.constant 0 : i32
      %dma_wait3A_29 = tpu.memref_slice %arg11[%run_scoped3A_3, %dma_wait3A_28] : memref<6x512xi32, #tpu.memory_space<vmem>> -> memref<1x512xi32, #tpu.memory_space<vmem>>
      %dma_wait3A_30 = tpu.memref_squeeze %dma_wait3A_29 : memref<1x512xi32, #tpu.memory_space<vmem>> -> memref<512xi32, #tpu.memory_space<vmem>>
      %dma_wait3A_31 = tpu.memref_slice %arg3[%mul3A_2] : memref<16384xi32, #tpu.memory_space<hbm>> -> memref<512xi32, #tpu.memory_space<hbm>>
      tpu.wait_dma2 semaphore(%run_scoped3A_17 : memref<!tpu.dma_semaphore, #tpu.memory_space<semaphore_mem>>) src(%dma_wait3A_31 : memref<512xi32, #tpu.memory_space<hbm>>) dst(%dma_wait3A_30 : memref<512xi32, #tpu.memory_space<vmem>>)
      tpu.yield
    }) : () -> ()
    %run_scoped3A_4 = arith.constant 2 : i32
    "tpu.region"() ({
      %run_scoped3A_17 = tpu.sem_alloc : memref<!tpu.dma_semaphore, #tpu.memory_space<semaphore_mem>>
      %dma_start3A = arith.constant 0 : i32
      %dma_start3A_18 = tpu.memref_slice %arg11[%run_scoped3A_4, %dma_start3A] : memref<6x512xi32, #tpu.memory_space<vmem>> -> memref<1x512xi32, #tpu.memory_space<vmem>>
      %dma_start3A_19 = tpu.memref_squeeze %dma_start3A_18 : memref<1x512xi32, #tpu.memory_space<vmem>> -> memref<512xi32, #tpu.memory_space<vmem>>
      %dma_start3A_20 = tpu.memref_slice %arg4[%mul3A_2] : memref<16384xi32, #tpu.memory_space<hbm>> -> memref<512xi32, #tpu.memory_space<hbm>>
      %dma_start3A_21 = arith.constant 0 : i32
      %dma_start3A_22 = tpu.memref_slice %arg11[%run_scoped3A_4, %dma_start3A_21] : memref<6x512xi32, #tpu.memory_space<vmem>> -> memref<1x512xi32, #tpu.memory_space<vmem>>
      %dma_start3A_23 = tpu.memref_squeeze %dma_start3A_22 : memref<1x512xi32, #tpu.memory_space<vmem>> -> memref<512xi32, #tpu.memory_space<vmem>>
      %dma_start3A_24 = tpu.memref_slice %arg4[%mul3A_2] : memref<16384xi32, #tpu.memory_space<hbm>> -> memref<512xi32, #tpu.memory_space<hbm>>
      tpu.enqueue_dma source(%dma_start3A_24 : memref<512xi32, #tpu.memory_space<hbm>>) target(%dma_start3A_23 : memref<512xi32, #tpu.memory_space<vmem>>) target_semaphore(%run_scoped3A_17 : memref<!tpu.dma_semaphore, #tpu.memory_space<semaphore_mem>>)
      %dma_wait3A = arith.constant 0 : i32
      %dma_wait3A_25 = tpu.memref_slice %arg11[%run_scoped3A_4, %dma_wait3A] : memref<6x512xi32, #tpu.memory_space<vmem>> -> memref<1x512xi32, #tpu.memory_space<vmem>>
      %dma_wait3A_26 = tpu.memref_squeeze %dma_wait3A_25 : memref<1x512xi32, #tpu.memory_space<vmem>> -> memref<512xi32, #tpu.memory_space<vmem>>
      %dma_wait3A_27 = tpu.memref_slice %arg4[%mul3A_2] : memref<16384xi32, #tpu.memory_space<hbm>> -> memref<512xi32, #tpu.memory_space<hbm>>
      %dma_wait3A_28 = arith.constant 0 : i32
      %dma_wait3A_29 = tpu.memref_slice %arg11[%run_scoped3A_4, %dma_wait3A_28] : memref<6x512xi32, #tpu.memory_space<vmem>> -> memref<1x512xi32, #tpu.memory_space<vmem>>
      %dma_wait3A_30 = tpu.memref_squeeze %dma_wait3A_29 : memref<1x512xi32, #tpu.memory_space<vmem>> -> memref<512xi32, #tpu.memory_space<vmem>>
      %dma_wait3A_31 = tpu.memref_slice %arg4[%mul3A_2] : memref<16384xi32, #tpu.memory_space<hbm>> -> memref<512xi32, #tpu.memory_space<hbm>>
      tpu.wait_dma2 semaphore(%run_scoped3A_17 : memref<!tpu.dma_semaphore, #tpu.memory_space<semaphore_mem>>) src(%dma_wait3A_31 : memref<512xi32, #tpu.memory_space<hbm>>) dst(%dma_wait3A_30 : memref<512xi32, #tpu.memory_space<vmem>>)
      tpu.yield
    }) : () -> ()
    %run_scoped3A_5 = arith.constant 3 : i32
    "tpu.region"() ({
      %run_scoped3A_17 = tpu.sem_alloc : memref<!tpu.dma_semaphore, #tpu.memory_space<semaphore_mem>>
      %dma_start3A = arith.constant 0 : i32
      %dma_start3A_18 = tpu.memref_slice %arg11[%run_scoped3A_5, %dma_start3A] : memref<6x512xi32, #tpu.memory_space<vmem>> -> memref<1x512xi32, #tpu.memory_space<vmem>>
      %dma_start3A_19 = tpu.memref_squeeze %dma_start3A_18 : memref<1x512xi32, #tpu.memory_space<vmem>> -> memref<512xi32, #tpu.memory_space<vmem>>
      %dma_start3A_20 = tpu.memref_slice %arg5[%mul3A_2] : memref<16384xi32, #tpu.memory_space<hbm>> -> memref<512xi32, #tpu.memory_space<hbm>>
      %dma_start3A_21 = arith.constant 0 : i32
      %dma_start3A_22 = tpu.memref_slice %arg11[%run_scoped3A_5, %dma_start3A_21] : memref<6x512xi32, #tpu.memory_space<vmem>> -> memref<1x512xi32, #tpu.memory_space<vmem>>
      %dma_start3A_23 = tpu.memref_squeeze %dma_start3A_22 : memref<1x512xi32, #tpu.memory_space<vmem>> -> memref<512xi32, #tpu.memory_space<vmem>>
      %dma_start3A_24 = tpu.memref_slice %arg5[%mul3A_2] : memref<16384xi32, #tpu.memory_space<hbm>> -> memref<512xi32, #tpu.memory_space<hbm>>
      tpu.enqueue_dma source(%dma_start3A_24 : memref<512xi32, #tpu.memory_space<hbm>>) target(%dma_start3A_23 : memref<512xi32, #tpu.memory_space<vmem>>) target_semaphore(%run_scoped3A_17 : memref<!tpu.dma_semaphore, #tpu.memory_space<semaphore_mem>>)
      %dma_wait3A = arith.constant 0 : i32
      %dma_wait3A_25 = tpu.memref_slice %arg11[%run_scoped3A_5, %dma_wait3A] : memref<6x512xi32, #tpu.memory_space<vmem>> -> memref<1x512xi32, #tpu.memory_space<vmem>>
      %dma_wait3A_26 = tpu.memref_squeeze %dma_wait3A_25 : memref<1x512xi32, #tpu.memory_space<vmem>> -> memref<512xi32, #tpu.memory_space<vmem>>
      %dma_wait3A_27 = tpu.memref_slice %arg5[%mul3A_2] : memref<16384xi32, #tpu.memory_space<hbm>> -> memref<512xi32, #tpu.memory_space<hbm>>
      %dma_wait3A_28 = arith.constant 0 : i32
      %dma_wait3A_29 = tpu.memref_slice %arg11[%run_scoped3A_5, %dma_wait3A_28] : memref<6x512xi32, #tpu.memory_space<vmem>> -> memref<1x512xi32, #tpu.memory_space<vmem>>
      %dma_wait3A_30 = tpu.memref_squeeze %dma_wait3A_29 : memref<1x512xi32, #tpu.memory_space<vmem>> -> memref<512xi32, #tpu.memory_space<vmem>>
      %dma_wait3A_31 = tpu.memref_slice %arg5[%mul3A_2] : memref<16384xi32, #tpu.memory_space<hbm>> -> memref<512xi32, #tpu.memory_space<hbm>>
      tpu.wait_dma2 semaphore(%run_scoped3A_17 : memref<!tpu.dma_semaphore, #tpu.memory_space<semaphore_mem>>) src(%dma_wait3A_31 : memref<512xi32, #tpu.memory_space<hbm>>) dst(%dma_wait3A_30 : memref<512xi32, #tpu.memory_space<vmem>>)
      tpu.yield
    }) : () -> ()
    %run_scoped3A_6 = arith.constant 4 : i32
    "tpu.region"() ({
      %run_scoped3A_17 = tpu.sem_alloc : memref<!tpu.dma_semaphore, #tpu.memory_space<semaphore_mem>>
      %dma_start3A = arith.constant 0 : i32
      %dma_start3A_18 = tpu.memref_slice %arg11[%run_scoped3A_6, %dma_start3A] : memref<6x512xi32, #tpu.memory_space<vmem>> -> memref<1x512xi32, #tpu.memory_space<vmem>>
      %dma_start3A_19 = tpu.memref_squeeze %dma_start3A_18 : memref<1x512xi32, #tpu.memory_space<vmem>> -> memref<512xi32, #tpu.memory_space<vmem>>
      %dma_start3A_20 = tpu.memref_slice %arg6[%mul3A_2] : memref<16384xi32, #tpu.memory_space<hbm>> -> memref<512xi32, #tpu.memory_space<hbm>>
      %dma_start3A_21 = arith.constant 0 : i32
      %dma_start3A_22 = tpu.memref_slice %arg11[%run_scoped3A_6, %dma_start3A_21] : memref<6x512xi32, #tpu.memory_space<vmem>> -> memref<1x512xi32, #tpu.memory_space<vmem>>
      %dma_start3A_23 = tpu.memref_squeeze %dma_start3A_22 : memref<1x512xi32, #tpu.memory_space<vmem>> -> memref<512xi32, #tpu.memory_space<vmem>>
      %dma_start3A_24 = tpu.memref_slice %arg6[%mul3A_2] : memref<16384xi32, #tpu.memory_space<hbm>> -> memref<512xi32, #tpu.memory_space<hbm>>
      tpu.enqueue_dma source(%dma_start3A_24 : memref<512xi32, #tpu.memory_space<hbm>>) target(%dma_start3A_23 : memref<512xi32, #tpu.memory_space<vmem>>) target_semaphore(%run_scoped3A_17 : memref<!tpu.dma_semaphore, #tpu.memory_space<semaphore_mem>>)
      %dma_wait3A = arith.constant 0 : i32
      %dma_wait3A_25 = tpu.memref_slice %arg11[%run_scoped3A_6, %dma_wait3A] : memref<6x512xi32, #tpu.memory_space<vmem>> -> memref<1x512xi32, #tpu.memory_space<vmem>>
      %dma_wait3A_26 = tpu.memref_squeeze %dma_wait3A_25 : memref<1x512xi32, #tpu.memory_space<vmem>> -> memref<512xi32, #tpu.memory_space<vmem>>
      %dma_wait3A_27 = tpu.memref_slice %arg6[%mul3A_2] : memref<16384xi32, #tpu.memory_space<hbm>> -> memref<512xi32, #tpu.memory_space<hbm>>
      %dma_wait3A_28 = arith.constant 0 : i32
      %dma_wait3A_29 = tpu.memref_slice %arg11[%run_scoped3A_6, %dma_wait3A_28] : memref<6x512xi32, #tpu.memory_space<vmem>> -> memref<1x512xi32, #tpu.memory_space<vmem>>
      %dma_wait3A_30 = tpu.memref_squeeze %dma_wait3A_29 : memref<1x512xi32, #tpu.memory_space<vmem>> -> memref<512xi32, #tpu.memory_space<vmem>>
      %dma_wait3A_31 = tpu.memref_slice %arg6[%mul3A_2] : memref<16384xi32, #tpu.memory_space<hbm>> -> memref<512xi32, #tpu.memory_space<hbm>>
      tpu.wait_dma2 semaphore(%run_scoped3A_17 : memref<!tpu.dma_semaphore, #tpu.memory_space<semaphore_mem>>) src(%dma_wait3A_31 : memref<512xi32, #tpu.memory_space<hbm>>) dst(%dma_wait3A_30 : memref<512xi32, #tpu.memory_space<vmem>>)
      tpu.yield
    }) : () -> ()
    %run_scoped3A_7 = arith.constant 5 : i32
    "tpu.region"() ({
      %run_scoped3A_17 = tpu.sem_alloc : memref<!tpu.dma_semaphore, #tpu.memory_space<semaphore_mem>>
      %dma_start3A = arith.constant 0 : i32
      %dma_start3A_18 = tpu.memref_slice %arg11[%run_scoped3A_7, %dma_start3A] : memref<6x512xi32, #tpu.memory_space<vmem>> -> memref<1x512xi32, #tpu.memory_space<vmem>>
      %dma_start3A_19 = tpu.memref_squeeze %dma_start3A_18 : memref<1x512xi32, #tpu.memory_space<vmem>> -> memref<512xi32, #tpu.memory_space<vmem>>
      %dma_start3A_20 = tpu.memref_slice %arg7[%mul3A_2] : memref<16384xi32, #tpu.memory_space<hbm>> -> memref<512xi32, #tpu.memory_space<hbm>>
      %dma_start3A_21 = arith.constant 0 : i32
      %dma_start3A_22 = tpu.memref_slice %arg11[%run_scoped3A_7, %dma_start3A_21] : memref<6x512xi32, #tpu.memory_space<vmem>> -> memref<1x512xi32, #tpu.memory_space<vmem>>
      %dma_start3A_23 = tpu.memref_squeeze %dma_start3A_22 : memref<1x512xi32, #tpu.memory_space<vmem>> -> memref<512xi32, #tpu.memory_space<vmem>>
      %dma_start3A_24 = tpu.memref_slice %arg7[%mul3A_2] : memref<16384xi32, #tpu.memory_space<hbm>> -> memref<512xi32, #tpu.memory_space<hbm>>
      tpu.enqueue_dma source(%dma_start3A_24 : memref<512xi32, #tpu.memory_space<hbm>>) target(%dma_start3A_23 : memref<512xi32, #tpu.memory_space<vmem>>) target_semaphore(%run_scoped3A_17 : memref<!tpu.dma_semaphore, #tpu.memory_space<semaphore_mem>>)
      %dma_wait3A = arith.constant 0 : i32
      %dma_wait3A_25 = tpu.memref_slice %arg11[%run_scoped3A_7, %dma_wait3A] : memref<6x512xi32, #tpu.memory_space<vmem>> -> memref<1x512xi32, #tpu.memory_space<vmem>>
      %dma_wait3A_26 = tpu.memref_squeeze %dma_wait3A_25 : memref<1x512xi32, #tpu.memory_space<vmem>> -> memref<512xi32, #tpu.memory_space<vmem>>
      %dma_wait3A_27 = tpu.memref_slice %arg7[%mul3A_2] : memref<16384xi32, #tpu.memory_space<hbm>> -> memref<512xi32, #tpu.memory_space<hbm>>
      %dma_wait3A_28 = arith.constant 0 : i32
      %dma_wait3A_29 = tpu.memref_slice %arg11[%run_scoped3A_7, %dma_wait3A_28] : memref<6x512xi32, #tpu.memory_space<vmem>> -> memref<1x512xi32, #tpu.memory_space<vmem>>
      %dma_wait3A_30 = tpu.memref_squeeze %dma_wait3A_29 : memref<1x512xi32, #tpu.memory_space<vmem>> -> memref<512xi32, #tpu.memory_space<vmem>>
      %dma_wait3A_31 = tpu.memref_slice %arg7[%mul3A_2] : memref<16384xi32, #tpu.memory_space<hbm>> -> memref<512xi32, #tpu.memory_space<hbm>>
      tpu.wait_dma2 semaphore(%run_scoped3A_17 : memref<!tpu.dma_semaphore, #tpu.memory_space<semaphore_mem>>) src(%dma_wait3A_31 : memref<512xi32, #tpu.memory_space<hbm>>) dst(%dma_wait3A_30 : memref<512xi32, #tpu.memory_space<vmem>>)
      tpu.yield
    }) : () -> ()
    %iota3A = tpu.iota {dimensions = array<i32: 0>} : vector<16xi32>
    %broadcast_in_dim3A = arith.constant 0.000000e+00 : f32
    %broadcast_in_dim3A_8 = vector.broadcast %broadcast_in_dim3A : f32 to vector<16xf32>
    %scan3A = arith.constant 0 : i32
    %scan3A_9 = arith.constant 8 : i32
    %scan3A_10 = arith.addi %scan3A, %scan3A_9 : i32
    %scan3A_11 = arith.constant 1 : i32
    %scan3A_12 = scf.for %scan3A_17 = %scan3A to %scan3A_10 step %scan3A_11 iter_args(%scan3A_18 = %broadcast_in_dim3A_8) -> (vector<16xf32>)  : i32 {
      %mul3A_19 = arith.constant 64 : i32
      %mul3A_20 = arith.muli %scan3A_17, %mul3A_19 : i32
      %dma_start3A = arith.constant 0 : i32
      %dma_start3A_21 = arith.constant 0 : i32
      %dma_start3A_22 = arith.constant 0 : i32
      %dma_start3A_23 = arith.constant 0 : i32
      %dma_start3A_24 = tpu.memref_slice %arg12[%dma_start3A_21, %dma_start3A_22, %dma_start3A_23] : memref<6x64x128xf32, #tpu.memory_space<vmem>> -> memref<1x64x128xf32, #tpu.memory_space<vmem>>
      %dma_start3A_25 = tpu.memref_squeeze %dma_start3A_24 : memref<1x64x128xf32, #tpu.memory_space<vmem>> -> memref<64x128xf32, #tpu.memory_space<vmem>>
      %dma_start3A_26 = tpu.memref_slice %arg11[%dma_start3A, %mul3A_20] : memref<6x512xi32, #tpu.memory_space<vmem>> -> memref<1x64xi32, #tpu.memory_space<vmem>>
      %dma_start3A_27 = tpu.memref_squeeze %dma_start3A_26 : memref<1x64xi32, #tpu.memory_space<vmem>> -> memref<64xi32, #tpu.memory_space<vmem>>
      %dma_start3A_28 = arith.constant 0 : i32
      %dma_start3A_29 = arith.constant 0 : i32
      %dma_start3A_30 = tpu.memref_slice %arg8[%dma_start3A_28, %dma_start3A_29] : memref<1000000x128xf32, #tpu.memory_space<hbm>> -> memref<1000000x128xf32, #tpu.memory_space<hbm>>
      tpu.enqueue_indirect_dma source(%dma_start3A_30 : memref<1000000x128xf32, #tpu.memory_space<hbm>>) target(%dma_start3A_25 : memref<64x128xf32, #tpu.memory_space<vmem>>) offsets(%dma_start3A_27 : memref<64xi32, #tpu.memory_space<vmem>>) semaphore(%arg15 : memref<!tpu.dma_semaphore, #tpu.memory_space<semaphore_mem>>)
      %mul3A_31 = arith.constant 64 : i32
      %mul3A_32 = arith.muli %scan3A_17, %mul3A_31 : i32
      %dma_start3A_33 = arith.constant 1 : i32
      %dma_start3A_34 = arith.constant 1 : i32
      %dma_start3A_35 = arith.constant 0 : i32
      %dma_start3A_36 = arith.constant 0 : i32
      %dma_start3A_37 = tpu.memref_slice %arg12[%dma_start3A_34, %dma_start3A_35, %dma_start3A_36] : memref<6x64x128xf32, #tpu.memory_space<vmem>> -> memref<1x64x128xf32, #tpu.memory_space<vmem>>
      %dma_start3A_38 = tpu.memref_squeeze %dma_start3A_37 : memref<1x64x128xf32, #tpu.memory_space<vmem>> -> memref<64x128xf32, #tpu.memory_space<vmem>>
      %dma_start3A_39 = tpu.memref_slice %arg11[%dma_start3A_33, %mul3A_32] : memref<6x512xi32, #tpu.memory_space<vmem>> -> memref<1x64xi32, #tpu.memory_space<vmem>>
      %dma_start3A_40 = tpu.memref_squeeze %dma_start3A_39 : memref<1x64xi32, #tpu.memory_space<vmem>> -> memref<64xi32, #tpu.memory_space<vmem>>
      %dma_start3A_41 = arith.constant 0 : i32
      %dma_start3A_42 = arith.constant 0 : i32
      %dma_start3A_43 = tpu.memref_slice %arg9[%dma_start3A_41, %dma_start3A_42] : memref<1000000x128xf32, #tpu.memory_space<hbm>> -> memref<1000000x128xf32, #tpu.memory_space<hbm>>
      tpu.enqueue_indirect_dma source(%dma_start3A_43 : memref<1000000x128xf32, #tpu.memory_space<hbm>>) target(%dma_start3A_38 : memref<64x128xf32, #tpu.memory_space<vmem>>) offsets(%dma_start3A_40 : memref<64xi32, #tpu.memory_space<vmem>>) semaphore(%arg15 : memref<!tpu.dma_semaphore, #tpu.memory_space<semaphore_mem>>)
      %mul3A_44 = arith.constant 64 : i32
      %mul3A_45 = arith.muli %scan3A_17, %mul3A_44 : i32
      %dma_start3A_46 = arith.constant 2 : i32
      %dma_start3A_47 = arith.constant 2 : i32
      %dma_start3A_48 = arith.constant 0 : i32
      %dma_start3A_49 = arith.constant 0 : i32
      %dma_start3A_50 = tpu.memref_slice %arg12[%dma_start3A_47, %dma_start3A_48, %dma_start3A_49] : memref<6x64x128xf32, #tpu.memory_space<vmem>> -> memref<1x64x128xf32, #tpu.memory_space<vmem>>
      %dma_start3A_51 = tpu.memref_squeeze %dma_start3A_50 : memref<1x64x128xf32, #tpu.memory_space<vmem>> -> memref<64x128xf32, #tpu.memory_space<vmem>>
      %dma_start3A_52 = tpu.memref_slice %arg11[%dma_start3A_46, %mul3A_45] : memref<6x512xi32, #tpu.memory_space<vmem>> -> memref<1x64xi32, #tpu.memory_space<vmem>>
      %dma_start3A_53 = tpu.memref_squeeze %dma_start3A_52 : memref<1x64xi32, #tpu.memory_space<vmem>> -> memref<64xi32, #tpu.memory_space<vmem>>
      %dma_start3A_54 = arith.constant 0 : i32
      %dma_start3A_55 = arith.constant 0 : i32
      %dma_start3A_56 = tpu.memref_slice %arg8[%dma_start3A_54, %dma_start3A_55] : memref<1000000x128xf32, #tpu.memory_space<hbm>> -> memref<1000000x128xf32, #tpu.memory_space<hbm>>
      tpu.enqueue_indirect_dma source(%dma_start3A_56 : memref<1000000x128xf32, #tpu.memory_space<hbm>>) target(%dma_start3A_51 : memref<64x128xf32, #tpu.memory_space<vmem>>) offsets(%dma_start3A_53 : memref<64xi32, #tpu.memory_space<vmem>>) semaphore(%arg15 : memref<!tpu.dma_semaphore, #tpu.memory_space<semaphore_mem>>)
      %mul3A_57 = arith.constant 64 : i32
      %mul3A_58 = arith.muli %scan3A_17, %mul3A_57 : i32
      %dma_start3A_59 = arith.constant 3 : i32
      %dma_start3A_60 = arith.constant 3 : i32
      %dma_start3A_61 = arith.constant 0 : i32
      %dma_start3A_62 = arith.constant 0 : i32
      %dma_start3A_63 = tpu.memref_slice %arg12[%dma_start3A_60, %dma_start3A_61, %dma_start3A_62] : memref<6x64x128xf32, #tpu.memory_space<vmem>> -> memref<1x64x128xf32, #tpu.memory_space<vmem>>
      %dma_start3A_64 = tpu.memref_squeeze %dma_start3A_63 : memref<1x64x128xf32, #tpu.memory_space<vmem>> -> memref<64x128xf32, #tpu.memory_space<vmem>>
      %dma_start3A_65 = tpu.memref_slice %arg11[%dma_start3A_59, %mul3A_58] : memref<6x512xi32, #tpu.memory_space<vmem>> -> memref<1x64xi32, #tpu.memory_space<vmem>>
      %dma_start3A_66 = tpu.memref_squeeze %dma_start3A_65 : memref<1x64xi32, #tpu.memory_space<vmem>> -> memref<64xi32, #tpu.memory_space<vmem>>
      %dma_start3A_67 = arith.constant 0 : i32
      %dma_start3A_68 = arith.constant 0 : i32
      %dma_start3A_69 = tpu.memref_slice %arg8[%dma_start3A_67, %dma_start3A_68] : memref<1000000x128xf32, #tpu.memory_space<hbm>> -> memref<1000000x128xf32, #tpu.memory_space<hbm>>
      tpu.enqueue_indirect_dma source(%dma_start3A_69 : memref<1000000x128xf32, #tpu.memory_space<hbm>>) target(%dma_start3A_64 : memref<64x128xf32, #tpu.memory_space<vmem>>) offsets(%dma_start3A_66 : memref<64xi32, #tpu.memory_space<vmem>>) semaphore(%arg15 : memref<!tpu.dma_semaphore, #tpu.memory_space<semaphore_mem>>)
      %mul3A_70 = arith.constant 64 : i32
      %mul3A_71 = arith.muli %scan3A_17, %mul3A_70 : i32
      %dma_start3A_72 = arith.constant 4 : i32
      %dma_start3A_73 = arith.constant 4 : i32
      %dma_start3A_74 = arith.constant 0 : i32
      %dma_start3A_75 = arith.constant 0 : i32
      %dma_start3A_76 = tpu.memref_slice %arg12[%dma_start3A_73, %dma_start3A_74, %dma_start3A_75] : memref<6x64x128xf32, #tpu.memory_space<vmem>> -> memref<1x64x128xf32, #tpu.memory_space<vmem>>
      %dma_start3A_77 = tpu.memref_squeeze %dma_start3A_76 : memref<1x64x128xf32, #tpu.memory_space<vmem>> -> memref<64x128xf32, #tpu.memory_space<vmem>>
      %dma_start3A_78 = tpu.memref_slice %arg11[%dma_start3A_72, %mul3A_71] : memref<6x512xi32, #tpu.memory_space<vmem>> -> memref<1x64xi32, #tpu.memory_space<vmem>>
      %dma_start3A_79 = tpu.memref_squeeze %dma_start3A_78 : memref<1x64xi32, #tpu.memory_space<vmem>> -> memref<64xi32, #tpu.memory_space<vmem>>
      %dma_start3A_80 = arith.constant 0 : i32
      %dma_start3A_81 = arith.constant 0 : i32
      %dma_start3A_82 = tpu.memref_slice %arg9[%dma_start3A_80, %dma_start3A_81] : memref<1000000x128xf32, #tpu.memory_space<hbm>> -> memref<1000000x128xf32, #tpu.memory_space<hbm>>
      tpu.enqueue_indirect_dma source(%dma_start3A_82 : memref<1000000x128xf32, #tpu.memory_space<hbm>>) target(%dma_start3A_77 : memref<64x128xf32, #tpu.memory_space<vmem>>) offsets(%dma_start3A_79 : memref<64xi32, #tpu.memory_space<vmem>>) semaphore(%arg15 : memref<!tpu.dma_semaphore, #tpu.memory_space<semaphore_mem>>)
      %mul3A_83 = arith.constant 64 : i32
      %mul3A_84 = arith.muli %scan3A_17, %mul3A_83 : i32
      %dma_start3A_85 = arith.constant 5 : i32
      %dma_start3A_86 = arith.constant 5 : i32
      %dma_start3A_87 = arith.constant 0 : i32
      %dma_start3A_88 = arith.constant 0 : i32
      %dma_start3A_89 = tpu.memref_slice %arg12[%dma_start3A_86, %dma_start3A_87, %dma_start3A_88] : memref<6x64x128xf32, #tpu.memory_space<vmem>> -> memref<1x64x128xf32, #tpu.memory_space<vmem>>
      %dma_start3A_90 = tpu.memref_squeeze %dma_start3A_89 : memref<1x64x128xf32, #tpu.memory_space<vmem>> -> memref<64x128xf32, #tpu.memory_space<vmem>>
      %dma_start3A_91 = tpu.memref_slice %arg11[%dma_start3A_85, %mul3A_84] : memref<6x512xi32, #tpu.memory_space<vmem>> -> memref<1x64xi32, #tpu.memory_space<vmem>>
      %dma_start3A_92 = tpu.memref_squeeze %dma_start3A_91 : memref<1x64xi32, #tpu.memory_space<vmem>> -> memref<64xi32, #tpu.memory_space<vmem>>
      %dma_start3A_93 = arith.constant 0 : i32
      %dma_start3A_94 = arith.constant 0 : i32
      %dma_start3A_95 = tpu.memref_slice %arg8[%dma_start3A_93, %dma_start3A_94] : memref<1000000x128xf32, #tpu.memory_space<hbm>> -> memref<1000000x128xf32, #tpu.memory_space<hbm>>
      tpu.enqueue_indirect_dma source(%dma_start3A_95 : memref<1000000x128xf32, #tpu.memory_space<hbm>>) target(%dma_start3A_90 : memref<64x128xf32, #tpu.memory_space<vmem>>) offsets(%dma_start3A_92 : memref<64xi32, #tpu.memory_space<vmem>>) semaphore(%arg15 : memref<!tpu.dma_semaphore, #tpu.memory_space<semaphore_mem>>)
      %dma_wait3A = arith.constant 0 : i32
      %dma_wait3A_96 = arith.constant 0 : i32
      %dma_wait3A_97 = arith.constant 0 : i32
      %dma_wait3A_98 = arith.constant 0 : i32
      %dma_wait3A_99 = tpu.memref_slice %arg12[%dma_wait3A_96, %dma_wait3A_97, %dma_wait3A_98] : memref<6x64x128xf32, #tpu.memory_space<vmem>> -> memref<1x64x128xf32, #tpu.memory_space<vmem>>
      %dma_wait3A_100 = tpu.memref_squeeze %dma_wait3A_99 : memref<1x64x128xf32, #tpu.memory_space<vmem>> -> memref<64x128xf32, #tpu.memory_space<vmem>>
      %dma_wait3A_101 = tpu.memref_slice %arg11[%dma_wait3A, %mul3A_20] : memref<6x512xi32, #tpu.memory_space<vmem>> -> memref<1x64xi32, #tpu.memory_space<vmem>>
      %dma_wait3A_102 = tpu.memref_squeeze %dma_wait3A_101 : memref<1x64xi32, #tpu.memory_space<vmem>> -> memref<64xi32, #tpu.memory_space<vmem>>
      %dma_wait3A_103 = arith.constant 0 : i32
      %dma_wait3A_104 = arith.constant 0 : i32
      %dma_wait3A_105 = tpu.memref_slice %arg8[%dma_wait3A_103, %dma_wait3A_104] : memref<1000000x128xf32, #tpu.memory_space<hbm>> -> memref<1000000x128xf32, #tpu.memory_space<hbm>>
      tpu.wait_indirect_dma semaphore(%arg15 : memref<!tpu.dma_semaphore, #tpu.memory_space<semaphore_mem>>) src(%dma_wait3A_105 : memref<1000000x128xf32, #tpu.memory_space<hbm>>) dst(%dma_wait3A_100 : memref<64x128xf32, #tpu.memory_space<vmem>>)
      %dma_wait3A_106 = arith.constant 1 : i32
      %dma_wait3A_107 = arith.constant 1 : i32
      %dma_wait3A_108 = arith.constant 0 : i32
      %dma_wait3A_109 = arith.constant 0 : i32
      %dma_wait3A_110 = tpu.memref_slice %arg12[%dma_wait3A_107, %dma_wait3A_108, %dma_wait3A_109] : memref<6x64x128xf32, #tpu.memory_space<vmem>> -> memref<1x64x128xf32, #tpu.memory_space<vmem>>
      %dma_wait3A_111 = tpu.memref_squeeze %dma_wait3A_110 : memref<1x64x128xf32, #tpu.memory_space<vmem>> -> memref<64x128xf32, #tpu.memory_space<vmem>>
      %dma_wait3A_112 = tpu.memref_slice %arg11[%dma_wait3A_106, %mul3A_32] : memref<6x512xi32, #tpu.memory_space<vmem>> -> memref<1x64xi32, #tpu.memory_space<vmem>>
      %dma_wait3A_113 = tpu.memref_squeeze %dma_wait3A_112 : memref<1x64xi32, #tpu.memory_space<vmem>> -> memref<64xi32, #tpu.memory_space<vmem>>
      %dma_wait3A_114 = arith.constant 0 : i32
      %dma_wait3A_115 = arith.constant 0 : i32
      %dma_wait3A_116 = tpu.memref_slice %arg9[%dma_wait3A_114, %dma_wait3A_115] : memref<1000000x128xf32, #tpu.memory_space<hbm>> -> memref<1000000x128xf32, #tpu.memory_space<hbm>>
      tpu.wait_indirect_dma semaphore(%arg15 : memref<!tpu.dma_semaphore, #tpu.memory_space<semaphore_mem>>) src(%dma_wait3A_116 : memref<1000000x128xf32, #tpu.memory_space<hbm>>) dst(%dma_wait3A_111 : memref<64x128xf32, #tpu.memory_space<vmem>>)
      %dma_wait3A_117 = arith.constant 2 : i32
      %dma_wait3A_118 = arith.constant 2 : i32
      %dma_wait3A_119 = arith.constant 0 : i32
      %dma_wait3A_120 = arith.constant 0 : i32
      %dma_wait3A_121 = tpu.memref_slice %arg12[%dma_wait3A_118, %dma_wait3A_119, %dma_wait3A_120] : memref<6x64x128xf32, #tpu.memory_space<vmem>> -> memref<1x64x128xf32, #tpu.memory_space<vmem>>
      %dma_wait3A_122 = tpu.memref_squeeze %dma_wait3A_121 : memref<1x64x128xf32, #tpu.memory_space<vmem>> -> memref<64x128xf32, #tpu.memory_space<vmem>>
      %dma_wait3A_123 = tpu.memref_slice %arg11[%dma_wait3A_117, %mul3A_45] : memref<6x512xi32, #tpu.memory_space<vmem>> -> memref<1x64xi32, #tpu.memory_space<vmem>>
      %dma_wait3A_124 = tpu.memref_squeeze %dma_wait3A_123 : memref<1x64xi32, #tpu.memory_space<vmem>> -> memref<64xi32, #tpu.memory_space<vmem>>
      %dma_wait3A_125 = arith.constant 0 : i32
      %dma_wait3A_126 = arith.constant 0 : i32
      %dma_wait3A_127 = tpu.memref_slice %arg8[%dma_wait3A_125, %dma_wait3A_126] : memref<1000000x128xf32, #tpu.memory_space<hbm>> -> memref<1000000x128xf32, #tpu.memory_space<hbm>>
      tpu.wait_indirect_dma semaphore(%arg15 : memref<!tpu.dma_semaphore, #tpu.memory_space<semaphore_mem>>) src(%dma_wait3A_127 : memref<1000000x128xf32, #tpu.memory_space<hbm>>) dst(%dma_wait3A_122 : memref<64x128xf32, #tpu.memory_space<vmem>>)
      %dma_wait3A_128 = arith.constant 3 : i32
      %dma_wait3A_129 = arith.constant 3 : i32
      %dma_wait3A_130 = arith.constant 0 : i32
      %dma_wait3A_131 = arith.constant 0 : i32
      %dma_wait3A_132 = tpu.memref_slice %arg12[%dma_wait3A_129, %dma_wait3A_130, %dma_wait3A_131] : memref<6x64x128xf32, #tpu.memory_space<vmem>> -> memref<1x64x128xf32, #tpu.memory_space<vmem>>
      %dma_wait3A_133 = tpu.memref_squeeze %dma_wait3A_132 : memref<1x64x128xf32, #tpu.memory_space<vmem>> -> memref<64x128xf32, #tpu.memory_space<vmem>>
      %dma_wait3A_134 = tpu.memref_slice %arg11[%dma_wait3A_128, %mul3A_58] : memref<6x512xi32, #tpu.memory_space<vmem>> -> memref<1x64xi32, #tpu.memory_space<vmem>>
      %dma_wait3A_135 = tpu.memref_squeeze %dma_wait3A_134 : memref<1x64xi32, #tpu.memory_space<vmem>> -> memref<64xi32, #tpu.memory_space<vmem>>
      %dma_wait3A_136 = arith.constant 0 : i32
      %dma_wait3A_137 = arith.constant 0 : i32
      %dma_wait3A_138 = tpu.memref_slice %arg8[%dma_wait3A_136, %dma_wait3A_137] : memref<1000000x128xf32, #tpu.memory_space<hbm>> -> memref<1000000x128xf32, #tpu.memory_space<hbm>>
      tpu.wait_indirect_dma semaphore(%arg15 : memref<!tpu.dma_semaphore, #tpu.memory_space<semaphore_mem>>) src(%dma_wait3A_138 : memref<1000000x128xf32, #tpu.memory_space<hbm>>) dst(%dma_wait3A_133 : memref<64x128xf32, #tpu.memory_space<vmem>>)
      %dma_wait3A_139 = arith.constant 4 : i32
      %dma_wait3A_140 = arith.constant 4 : i32
      %dma_wait3A_141 = arith.constant 0 : i32
      %dma_wait3A_142 = arith.constant 0 : i32
      %dma_wait3A_143 = tpu.memref_slice %arg12[%dma_wait3A_140, %dma_wait3A_141, %dma_wait3A_142] : memref<6x64x128xf32, #tpu.memory_space<vmem>> -> memref<1x64x128xf32, #tpu.memory_space<vmem>>
      %dma_wait3A_144 = tpu.memref_squeeze %dma_wait3A_143 : memref<1x64x128xf32, #tpu.memory_space<vmem>> -> memref<64x128xf32, #tpu.memory_space<vmem>>
      %dma_wait3A_145 = tpu.memref_slice %arg11[%dma_wait3A_139, %mul3A_71] : memref<6x512xi32, #tpu.memory_space<vmem>> -> memref<1x64xi32, #tpu.memory_space<vmem>>
      %dma_wait3A_146 = tpu.memref_squeeze %dma_wait3A_145 : memref<1x64xi32, #tpu.memory_space<vmem>> -> memref<64xi32, #tpu.memory_space<vmem>>
      %dma_wait3A_147 = arith.constant 0 : i32
      %dma_wait3A_148 = arith.constant 0 : i32
      %dma_wait3A_149 = tpu.memref_slice %arg9[%dma_wait3A_147, %dma_wait3A_148] : memref<1000000x128xf32, #tpu.memory_space<hbm>> -> memref<1000000x128xf32, #tpu.memory_space<hbm>>
      tpu.wait_indirect_dma semaphore(%arg15 : memref<!tpu.dma_semaphore, #tpu.memory_space<semaphore_mem>>) src(%dma_wait3A_149 : memref<1000000x128xf32, #tpu.memory_space<hbm>>) dst(%dma_wait3A_144 : memref<64x128xf32, #tpu.memory_space<vmem>>)
      %dma_wait3A_150 = arith.constant 5 : i32
      %dma_wait3A_151 = arith.constant 5 : i32
      %dma_wait3A_152 = arith.constant 0 : i32
      %dma_wait3A_153 = arith.constant 0 : i32
      %dma_wait3A_154 = tpu.memref_slice %arg12[%dma_wait3A_151, %dma_wait3A_152, %dma_wait3A_153] : memref<6x64x128xf32, #tpu.memory_space<vmem>> -> memref<1x64x128xf32, #tpu.memory_space<vmem>>
      %dma_wait3A_155 = tpu.memref_squeeze %dma_wait3A_154 : memref<1x64x128xf32, #tpu.memory_space<vmem>> -> memref<64x128xf32, #tpu.memory_space<vmem>>
      %dma_wait3A_156 = tpu.memref_slice %arg11[%dma_wait3A_150, %mul3A_84] : memref<6x512xi32, #tpu.memory_space<vmem>> -> memref<1x64xi32, #tpu.memory_space<vmem>>
      %dma_wait3A_157 = tpu.memref_squeeze %dma_wait3A_156 : memref<1x64xi32, #tpu.memory_space<vmem>> -> memref<64xi32, #tpu.memory_space<vmem>>
      %dma_wait3A_158 = arith.constant 0 : i32
      %dma_wait3A_159 = arith.constant 0 : i32
      %dma_wait3A_160 = tpu.memref_slice %arg8[%dma_wait3A_158, %dma_wait3A_159] : memref<1000000x128xf32, #tpu.memory_space<hbm>> -> memref<1000000x128xf32, #tpu.memory_space<hbm>>
      tpu.wait_indirect_dma semaphore(%arg15 : memref<!tpu.dma_semaphore, #tpu.memory_space<semaphore_mem>>) src(%dma_wait3A_160 : memref<1000000x128xf32, #tpu.memory_space<hbm>>) dst(%dma_wait3A_155 : memref<64x128xf32, #tpu.memory_space<vmem>>)
      %scan3A_161 = arith.constant 0 : i32
      %scan3A_162 = arith.constant 4 : i32
      %scan3A_163 = arith.addi %scan3A_161, %scan3A_162 : i32
      %scan3A_164 = arith.constant 1 : i32
      %scan3A_165 = scf.for %scan3A_167 = %scan3A_161 to %scan3A_163 step %scan3A_164 iter_args(%scan3A_168 = %scan3A_18) -> (vector<16xf32>)  : i32 {
        %scan3A_169 = arith.constant 0 : i32
        %scan3A_170 = arith.constant 16 : i32
        %scan3A_171 = arith.addi %scan3A_169, %scan3A_170 : i32
        %scan3A_172 = arith.constant 1 : i32
        scf.for %scan3A_245 = %scan3A_169 to %scan3A_171 step %scan3A_172  : i32 {
          %mul3A_246 = arith.constant 16 : i32
          %mul3A_247 = arith.muli %scan3A_167, %mul3A_246 : i32
          %add3A_248 = arith.addi %mul3A_247, %scan3A_245 : i32
          %broadcast_in_dim3A_249 = arith.constant 0.000000e+00 : f32
          %broadcast_in_dim3A_250 = vector.broadcast %broadcast_in_dim3A_249 : f32 to vector<16xf32>
          %get3A = arith.constant 3 : i32
          %get3A_251 = arith.index_cast %get3A : i32 to index
          %get3A_252 = arith.index_cast %add3A_248 : i32 to index
          %get3A_253 = arith.constant 0 : index
          %get3A_254 = tpu.vector_load %arg12[%get3A_251, %get3A_252, %get3A_253] {strides = array<i32>} : memref<6x64x128xf32, #tpu.memory_space<vmem>>, vector<16xf32>,
          %get3A_255 = arith.constant 3 : i32
          %get3A_256 = arith.index_cast %get3A_255 : i32 to index
          %get3A_257 = arith.index_cast %add3A_248 : i32 to index
          %get3A_258 = arith.constant 64 : index
          %get3A_259 = tpu.vector_load %arg12[%get3A_256, %get3A_257, %get3A_258] {strides = array<i32>} : memref<6x64x128xf32, #tpu.memory_space<vmem>>, vector<16xf32>,
          %get3A_260 = arith.constant 4 : i32
          %get3A_261 = arith.index_cast %get3A_260 : i32 to index
          %get3A_262 = arith.index_cast %add3A_248 : i32 to index
          %get3A_263 = arith.constant 0 : index
          %get3A_264 = tpu.vector_load %arg12[%get3A_261, %get3A_262, %get3A_263] {strides = array<i32>} : memref<6x64x128xf32, #tpu.memory_space<vmem>>, vector<16xf32>,
          %get3A_265 = arith.constant 4 : i32
          %get3A_266 = arith.index_cast %get3A_265 : i32 to index
          %get3A_267 = arith.index_cast %add3A_248 : i32 to index
          %get3A_268 = arith.constant 64 : index
          %get3A_269 = tpu.vector_load %arg12[%get3A_266, %get3A_267, %get3A_268] {strides = array<i32>} : memref<6x64x128xf32, #tpu.memory_space<vmem>>, vector<16xf32>,
          %get3A_270 = arith.constant 5 : i32
          %get3A_271 = arith.index_cast %get3A_270 : i32 to index
          %get3A_272 = arith.index_cast %add3A_248 : i32 to index
          %get3A_273 = arith.constant 0 : index
          %get3A_274 = tpu.vector_load %arg12[%get3A_271, %get3A_272, %get3A_273] {strides = array<i32>} : memref<6x64x128xf32, #tpu.memory_space<vmem>>, vector<16xf32>,
          %get3A_275 = arith.constant 5 : i32
          %get3A_276 = arith.index_cast %get3A_275 : i32 to index
          %get3A_277 = arith.index_cast %add3A_248 : i32 to index
          %get3A_278 = arith.constant 64 : index
          %get3A_279 = tpu.vector_load %arg12[%get3A_276, %get3A_277, %get3A_278] {strides = array<i32>} : memref<6x64x128xf32, #tpu.memory_space<vmem>>, vector<16xf32>,
          %mul3A_280 = arith.mulf %get3A_254, %get3A_274 : vector<16xf32>
          %mul3A_281 = arith.mulf %get3A_259, %get3A_279 : vector<16xf32>
          %add3A_282 = arith.addf %mul3A_280, %mul3A_281 : vector<16xf32>
          %mul3A_283 = arith.mulf %get3A_264, %add3A_282 : vector<16xf32>
          %add3A_284 = arith.addf %broadcast_in_dim3A_250, %mul3A_283 : vector<16xf32>
          %mul3A_285 = arith.mulf %get3A_254, %get3A_279 : vector<16xf32>
          %mul3A_286 = arith.mulf %get3A_259, %get3A_274 : vector<16xf32>
          %sub3A = arith.subf %mul3A_285, %mul3A_286 : vector<16xf32>
          %mul3A_287 = arith.mulf %get3A_269, %sub3A : vector<16xf32>
          %add3A_288 = arith.addf %add3A_284, %mul3A_287 : vector<16xf32>
          %get3A_289 = arith.constant 3 : i32
          %get3A_290 = arith.index_cast %get3A_289 : i32 to index
          %get3A_291 = arith.index_cast %add3A_248 : i32 to index
          %get3A_292 = arith.constant 16 : index
          %get3A_293 = tpu.vector_load %arg12[%get3A_290, %get3A_291, %get3A_292] {strides = array<i32>} : memref<6x64x128xf32, #tpu.memory_space<vmem>>, vector<16xf32>,
          %get3A_294 = arith.constant 3 : i32
          %get3A_295 = arith.index_cast %get3A_294 : i32 to index
          %get3A_296 = arith.index_cast %add3A_248 : i32 to index
          %get3A_297 = arith.constant 80 : index
          %get3A_298 = tpu.vector_load %arg12[%get3A_295, %get3A_296, %get3A_297] {strides = array<i32>} : memref<6x64x128xf32, #tpu.memory_space<vmem>>, vector<16xf32>,
          %get3A_299 = arith.constant 4 : i32
          %get3A_300 = arith.index_cast %get3A_299 : i32 to index
          %get3A_301 = arith.index_cast %add3A_248 : i32 to index
          %get3A_302 = arith.constant 16 : index
          %get3A_303 = tpu.vector_load %arg12[%get3A_300, %get3A_301, %get3A_302] {strides = array<i32>} : memref<6x64x128xf32, #tpu.memory_space<vmem>>, vector<16xf32>,
          %get3A_304 = arith.constant 4 : i32
          %get3A_305 = arith.index_cast %get3A_304 : i32 to index
          %get3A_306 = arith.index_cast %add3A_248 : i32 to index
          %get3A_307 = arith.constant 80 : index
          %get3A_308 = tpu.vector_load %arg12[%get3A_305, %get3A_306, %get3A_307] {strides = array<i32>} : memref<6x64x128xf32, #tpu.memory_space<vmem>>, vector<16xf32>,
          %get3A_309 = arith.constant 5 : i32
          %get3A_310 = arith.index_cast %get3A_309 : i32 to index
          %get3A_311 = arith.index_cast %add3A_248 : i32 to index
          %get3A_312 = arith.constant 16 : index
          %get3A_313 = tpu.vector_load %arg12[%get3A_310, %get3A_311, %get3A_312] {strides = array<i32>} : memref<6x64x128xf32, #tpu.memory_space<vmem>>, vector<16xf32>,
          %get3A_314 = arith.constant 5 : i32
          %get3A_315 = arith.index_cast %get3A_314 : i32 to index
          %get3A_316 = arith.index_cast %add3A_248 : i32 to index
          %get3A_317 = arith.constant 80 : index
          %get3A_318 = tpu.vector_load %arg12[%get3A_315, %get3A_316, %get3A_317] {strides = array<i32>} : memref<6x64x128xf32, #tpu.memory_space<vmem>>, vector<16xf32>,
          %mul3A_319 = arith.mulf %get3A_293, %get3A_313 : vector<16xf32>
          %mul3A_320 = arith.mulf %get3A_298, %get3A_318 : vector<16xf32>
          %add3A_321 = arith.addf %mul3A_319, %mul3A_320 : vector<16xf32>
          %mul3A_322 = arith.mulf %get3A_303, %add3A_321 : vector<16xf32>
          %add3A_323 = arith.addf %add3A_288, %mul3A_322 : vector<16xf32>
          %mul3A_324 = arith.mulf %get3A_293, %get3A_318 : vector<16xf32>
          %mul3A_325 = arith.mulf %get3A_298, %get3A_313 : vector<16xf32>
          %sub3A_326 = arith.subf %mul3A_324, %mul3A_325 : vector<16xf32>
          %mul3A_327 = arith.mulf %get3A_308, %sub3A_326 : vector<16xf32>
          %add3A_328 = arith.addf %add3A_323, %mul3A_327 : vector<16xf32>
          %get3A_329 = arith.constant 3 : i32
          %get3A_330 = arith.index_cast %get3A_329 : i32 to index
          %get3A_331 = arith.index_cast %add3A_248 : i32 to index
          %get3A_332 = arith.constant 32 : index
          %get3A_333 = tpu.vector_load %arg12[%get3A_330, %get3A_331, %get3A_332] {strides = array<i32>} : memref<6x64x128xf32, #tpu.memory_space<vmem>>, vector<16xf32>,
          %get3A_334 = arith.constant 3 : i32
          %get3A_335 = arith.index_cast %get3A_334 : i32 to index
          %get3A_336 = arith.index_cast %add3A_248 : i32 to index
          %get3A_337 = arith.constant 96 : index
          %get3A_338 = tpu.vector_load %arg12[%get3A_335, %get3A_336, %get3A_337] {strides = array<i32>} : memref<6x64x128xf32, #tpu.memory_space<vmem>>, vector<16xf32>,
          %get3A_339 = arith.constant 4 : i32
          %get3A_340 = arith.index_cast %get3A_339 : i32 to index
          %get3A_341 = arith.index_cast %add3A_248 : i32 to index
          %get3A_342 = arith.constant 32 : index
          %get3A_343 = tpu.vector_load %arg12[%get3A_340, %get3A_341, %get3A_342] {strides = array<i32>} : memref<6x64x128xf32, #tpu.memory_space<vmem>>, vector<16xf32>,
          %get3A_344 = arith.constant 4 : i32
          %get3A_345 = arith.index_cast %get3A_344 : i32 to index
          %get3A_346 = arith.index_cast %add3A_248 : i32 to index
          %get3A_347 = arith.constant 96 : index
          %get3A_348 = tpu.vector_load %arg12[%get3A_345, %get3A_346, %get3A_347] {strides = array<i32>} : memref<6x64x128xf32, #tpu.memory_space<vmem>>, vector<16xf32>,
          %get3A_349 = arith.constant 5 : i32
          %get3A_350 = arith.index_cast %get3A_349 : i32 to index
          %get3A_351 = arith.index_cast %add3A_248 : i32 to index
          %get3A_352 = arith.constant 32 : index
          %get3A_353 = tpu.vector_load %arg12[%get3A_350, %get3A_351, %get3A_352] {strides = array<i32>} : memref<6x64x128xf32, #tpu.memory_space<vmem>>, vector<16xf32>,
          %get3A_354 = arith.constant 5 : i32
          %get3A_355 = arith.index_cast %get3A_354 : i32 to index
          %get3A_356 = arith.index_cast %add3A_248 : i32 to index
          %get3A_357 = arith.constant 96 : index
          %get3A_358 = tpu.vector_load %arg12[%get3A_355, %get3A_356, %get3A_357] {strides = array<i32>} : memref<6x64x128xf32, #tpu.memory_space<vmem>>, vector<16xf32>,
          %mul3A_359 = arith.mulf %get3A_333, %get3A_353 : vector<16xf32>
          %mul3A_360 = arith.mulf %get3A_338, %get3A_358 : vector<16xf32>
          %add3A_361 = arith.addf %mul3A_359, %mul3A_360 : vector<16xf32>
          %mul3A_362 = arith.mulf %get3A_343, %add3A_361 : vector<16xf32>
          %add3A_363 = arith.addf %add3A_328, %mul3A_362 : vector<16xf32>
          %mul3A_364 = arith.mulf %get3A_333, %get3A_358 : vector<16xf32>
          %mul3A_365 = arith.mulf %get3A_338, %get3A_353 : vector<16xf32>
          %sub3A_366 = arith.subf %mul3A_364, %mul3A_365 : vector<16xf32>
          %mul3A_367 = arith.mulf %get3A_348, %sub3A_366 : vector<16xf32>
          %add3A_368 = arith.addf %add3A_363, %mul3A_367 : vector<16xf32>
          %get3A_369 = arith.constant 3 : i32
          %get3A_370 = arith.index_cast %get3A_369 : i32 to index
          %get3A_371 = arith.index_cast %add3A_248 : i32 to index
          %get3A_372 = arith.constant 48 : index
          %get3A_373 = tpu.vector_load %arg12[%get3A_370, %get3A_371, %get3A_372] {strides = array<i32>} : memref<6x64x128xf32, #tpu.memory_space<vmem>>, vector<16xf32>,
          %get3A_374 = arith.constant 3 : i32
          %get3A_375 = arith.index_cast %get3A_374 : i32 to index
          %get3A_376 = arith.index_cast %add3A_248 : i32 to index
          %get3A_377 = arith.constant 112 : index
          %get3A_378 = tpu.vector_load %arg12[%get3A_375, %get3A_376, %get3A_377] {strides = array<i32>} : memref<6x64x128xf32, #tpu.memory_space<vmem>>, vector<16xf32>,
          %get3A_379 = arith.constant 4 : i32
          %get3A_380 = arith.index_cast %get3A_379 : i32 to index
          %get3A_381 = arith.index_cast %add3A_248 : i32 to index
          %get3A_382 = arith.constant 48 : index
          %get3A_383 = tpu.vector_load %arg12[%get3A_380, %get3A_381, %get3A_382] {strides = array<i32>} : memref<6x64x128xf32, #tpu.memory_space<vmem>>, vector<16xf32>,
          %get3A_384 = arith.constant 4 : i32
          %get3A_385 = arith.index_cast %get3A_384 : i32 to index
          %get3A_386 = arith.index_cast %add3A_248 : i32 to index
          %get3A_387 = arith.constant 112 : index
          %get3A_388 = tpu.vector_load %arg12[%get3A_385, %get3A_386, %get3A_387] {strides = array<i32>} : memref<6x64x128xf32, #tpu.memory_space<vmem>>, vector<16xf32>,
          %get3A_389 = arith.constant 5 : i32
          %get3A_390 = arith.index_cast %get3A_389 : i32 to index
          %get3A_391 = arith.index_cast %add3A_248 : i32 to index
          %get3A_392 = arith.constant 48 : index
          %get3A_393 = tpu.vector_load %arg12[%get3A_390, %get3A_391, %get3A_392] {strides = array<i32>} : memref<6x64x128xf32, #tpu.memory_space<vmem>>, vector<16xf32>,
          %get3A_394 = arith.constant 5 : i32
          %get3A_395 = arith.index_cast %get3A_394 : i32 to index
          %get3A_396 = arith.index_cast %add3A_248 : i32 to index
          %get3A_397 = arith.constant 112 : index
          %get3A_398 = tpu.vector_load %arg12[%get3A_395, %get3A_396, %get3A_397] {strides = array<i32>} : memref<6x64x128xf32, #tpu.memory_space<vmem>>, vector<16xf32>,
          %mul3A_399 = arith.mulf %get3A_373, %get3A_393 : vector<16xf32>
          %mul3A_400 = arith.mulf %get3A_378, %get3A_398 : vector<16xf32>
          %add3A_401 = arith.addf %mul3A_399, %mul3A_400 : vector<16xf32>
          %mul3A_402 = arith.mulf %get3A_383, %add3A_401 : vector<16xf32>
          %add3A_403 = arith.addf %add3A_368, %mul3A_402 : vector<16xf32>
          %mul3A_404 = arith.mulf %get3A_373, %get3A_398 : vector<16xf32>
          %mul3A_405 = arith.mulf %get3A_378, %get3A_393 : vector<16xf32>
          %sub3A_406 = arith.subf %mul3A_404, %mul3A_405 : vector<16xf32>
          %mul3A_407 = arith.mulf %get3A_388, %sub3A_406 : vector<16xf32>
          %add3A_408 = arith.addf %add3A_403, %mul3A_407 : vector<16xf32>
          %broadcast_in_dim3A_409 = arith.constant 0.000000e+00 : f32
          %broadcast_in_dim3A_410 = vector.broadcast %broadcast_in_dim3A_409 : f32 to vector<16xf32>
          %get3A_411 = arith.constant 0 : i32
          %get3A_412 = arith.index_cast %get3A_411 : i32 to index
          %get3A_413 = arith.index_cast %add3A_248 : i32 to index
          %get3A_414 = arith.constant 0 : index
          %get3A_415 = tpu.vector_load %arg12[%get3A_412, %get3A_413, %get3A_414] {strides = array<i32>} : memref<6x64x128xf32, #tpu.memory_space<vmem>>, vector<16xf32>,
          %get3A_416 = arith.constant 0 : i32
          %get3A_417 = arith.index_cast %get3A_416 : i32 to index
          %get3A_418 = arith.index_cast %add3A_248 : i32 to index
          %get3A_419 = arith.constant 64 : index
          %get3A_420 = tpu.vector_load %arg12[%get3A_417, %get3A_418, %get3A_419] {strides = array<i32>} : memref<6x64x128xf32, #tpu.memory_space<vmem>>, vector<16xf32>,
          %get3A_421 = arith.constant 1 : i32
          %get3A_422 = arith.index_cast %get3A_421 : i32 to index
          %get3A_423 = arith.index_cast %add3A_248 : i32 to index
          %get3A_424 = arith.constant 0 : index
          %get3A_425 = tpu.vector_load %arg12[%get3A_422, %get3A_423, %get3A_424] {strides = array<i32>} : memref<6x64x128xf32, #tpu.memory_space<vmem>>, vector<16xf32>,
          %get3A_426 = arith.constant 1 : i32
          %get3A_427 = arith.index_cast %get3A_426 : i32 to index
          %get3A_428 = arith.index_cast %add3A_248 : i32 to index
          %get3A_429 = arith.constant 64 : index
          %get3A_430 = tpu.vector_load %arg12[%get3A_427, %get3A_428, %get3A_429] {strides = array<i32>} : memref<6x64x128xf32, #tpu.memory_space<vmem>>, vector<16xf32>,
          %get3A_431 = arith.constant 2 : i32
          %get3A_432 = arith.index_cast %get3A_431 : i32 to index
          %get3A_433 = arith.index_cast %add3A_248 : i32 to index
          %get3A_434 = arith.constant 0 : index
          %get3A_435 = tpu.vector_load %arg12[%get3A_432, %get3A_433, %get3A_434] {strides = array<i32>} : memref<6x64x128xf32, #tpu.memory_space<vmem>>, vector<16xf32>,
          %get3A_436 = arith.constant 2 : i32
          %get3A_437 = arith.index_cast %get3A_436 : i32 to index
          %get3A_438 = arith.index_cast %add3A_248 : i32 to index
          %get3A_439 = arith.constant 64 : index
          %get3A_440 = tpu.vector_load %arg12[%get3A_437, %get3A_438, %get3A_439] {strides = array<i32>} : memref<6x64x128xf32, #tpu.memory_space<vmem>>, vector<16xf32>,
          %mul3A_441 = arith.mulf %get3A_415, %get3A_435 : vector<16xf32>
          %mul3A_442 = arith.mulf %get3A_420, %get3A_440 : vector<16xf32>
          %add3A_443 = arith.addf %mul3A_441, %mul3A_442 : vector<16xf32>
          %mul3A_444 = arith.mulf %get3A_425, %add3A_443 : vector<16xf32>
          %add3A_445 = arith.addf %broadcast_in_dim3A_410, %mul3A_444 : vector<16xf32>
          %mul3A_446 = arith.mulf %get3A_415, %get3A_440 : vector<16xf32>
          %mul3A_447 = arith.mulf %get3A_420, %get3A_435 : vector<16xf32>
          %sub3A_448 = arith.subf %mul3A_446, %mul3A_447 : vector<16xf32>
          %mul3A_449 = arith.mulf %get3A_430, %sub3A_448 : vector<16xf32>
          %add3A_450 = arith.addf %add3A_445, %mul3A_449 : vector<16xf32>
          %get3A_451 = arith.constant 0 : i32
          %get3A_452 = arith.index_cast %get3A_451 : i32 to index
          %get3A_453 = arith.index_cast %add3A_248 : i32 to index
          %get3A_454 = arith.constant 16 : index
          %get3A_455 = tpu.vector_load %arg12[%get3A_452, %get3A_453, %get3A_454] {strides = array<i32>} : memref<6x64x128xf32, #tpu.memory_space<vmem>>, vector<16xf32>,
          %get3A_456 = arith.constant 0 : i32
          %get3A_457 = arith.index_cast %get3A_456 : i32 to index
          %get3A_458 = arith.index_cast %add3A_248 : i32 to index
          %get3A_459 = arith.constant 80 : index
          %get3A_460 = tpu.vector_load %arg12[%get3A_457, %get3A_458, %get3A_459] {strides = array<i32>} : memref<6x64x128xf32, #tpu.memory_space<vmem>>, vector<16xf32>,
          %get3A_461 = arith.constant 1 : i32
          %get3A_462 = arith.index_cast %get3A_461 : i32 to index
          %get3A_463 = arith.index_cast %add3A_248 : i32 to index
          %get3A_464 = arith.constant 16 : index
          %get3A_465 = tpu.vector_load %arg12[%get3A_462, %get3A_463, %get3A_464] {strides = array<i32>} : memref<6x64x128xf32, #tpu.memory_space<vmem>>, vector<16xf32>,
          %get3A_466 = arith.constant 1 : i32
          %get3A_467 = arith.index_cast %get3A_466 : i32 to index
          %get3A_468 = arith.index_cast %add3A_248 : i32 to index
          %get3A_469 = arith.constant 80 : index
          %get3A_470 = tpu.vector_load %arg12[%get3A_467, %get3A_468, %get3A_469] {strides = array<i32>} : memref<6x64x128xf32, #tpu.memory_space<vmem>>, vector<16xf32>,
          %get3A_471 = arith.constant 2 : i32
          %get3A_472 = arith.index_cast %get3A_471 : i32 to index
          %get3A_473 = arith.index_cast %add3A_248 : i32 to index
          %get3A_474 = arith.constant 16 : index
          %get3A_475 = tpu.vector_load %arg12[%get3A_472, %get3A_473, %get3A_474] {strides = array<i32>} : memref<6x64x128xf32, #tpu.memory_space<vmem>>, vector<16xf32>,
          %get3A_476 = arith.constant 2 : i32
          %get3A_477 = arith.index_cast %get3A_476 : i32 to index
          %get3A_478 = arith.index_cast %add3A_248 : i32 to index
          %get3A_479 = arith.constant 80 : index
          %get3A_480 = tpu.vector_load %arg12[%get3A_477, %get3A_478, %get3A_479] {strides = array<i32>} : memref<6x64x128xf32, #tpu.memory_space<vmem>>, vector<16xf32>,
          %mul3A_481 = arith.mulf %get3A_455, %get3A_475 : vector<16xf32>
          %mul3A_482 = arith.mulf %get3A_460, %get3A_480 : vector<16xf32>
          %add3A_483 = arith.addf %mul3A_481, %mul3A_482 : vector<16xf32>
          %mul3A_484 = arith.mulf %get3A_465, %add3A_483 : vector<16xf32>
          %add3A_485 = arith.addf %add3A_450, %mul3A_484 : vector<16xf32>
          %mul3A_486 = arith.mulf %get3A_455, %get3A_480 : vector<16xf32>
          %mul3A_487 = arith.mulf %get3A_460, %get3A_475 : vector<16xf32>
          %sub3A_488 = arith.subf %mul3A_486, %mul3A_487 : vector<16xf32>
          %mul3A_489 = arith.mulf %get3A_470, %sub3A_488 : vector<16xf32>
          %add3A_490 = arith.addf %add3A_485, %mul3A_489 : vector<16xf32>
          %get3A_491 = arith.constant 0 : i32
          %get3A_492 = arith.index_cast %get3A_491 : i32 to index
          %get3A_493 = arith.index_cast %add3A_248 : i32 to index
          %get3A_494 = arith.constant 32 : index
          %get3A_495 = tpu.vector_load %arg12[%get3A_492, %get3A_493, %get3A_494] {strides = array<i32>} : memref<6x64x128xf32, #tpu.memory_space<vmem>>, vector<16xf32>,
          %get3A_496 = arith.constant 0 : i32
          %get3A_497 = arith.index_cast %get3A_496 : i32 to index
          %get3A_498 = arith.index_cast %add3A_248 : i32 to index
          %get3A_499 = arith.constant 96 : index
          %get3A_500 = tpu.vector_load %arg12[%get3A_497, %get3A_498, %get3A_499] {strides = array<i32>} : memref<6x64x128xf32, #tpu.memory_space<vmem>>, vector<16xf32>,
          %get3A_501 = arith.constant 1 : i32
          %get3A_502 = arith.index_cast %get3A_501 : i32 to index
          %get3A_503 = arith.index_cast %add3A_248 : i32 to index
          %get3A_504 = arith.constant 32 : index
          %get3A_505 = tpu.vector_load %arg12[%get3A_502, %get3A_503, %get3A_504] {strides = array<i32>} : memref<6x64x128xf32, #tpu.memory_space<vmem>>, vector<16xf32>,
          %get3A_506 = arith.constant 1 : i32
          %get3A_507 = arith.index_cast %get3A_506 : i32 to index
          %get3A_508 = arith.index_cast %add3A_248 : i32 to index
          %get3A_509 = arith.constant 96 : index
          %get3A_510 = tpu.vector_load %arg12[%get3A_507, %get3A_508, %get3A_509] {strides = array<i32>} : memref<6x64x128xf32, #tpu.memory_space<vmem>>, vector<16xf32>,
          %get3A_511 = arith.constant 2 : i32
          %get3A_512 = arith.index_cast %get3A_511 : i32 to index
          %get3A_513 = arith.index_cast %add3A_248 : i32 to index
          %get3A_514 = arith.constant 32 : index
          %get3A_515 = tpu.vector_load %arg12[%get3A_512, %get3A_513, %get3A_514] {strides = array<i32>} : memref<6x64x128xf32, #tpu.memory_space<vmem>>, vector<16xf32>,
          %get3A_516 = arith.constant 2 : i32
          %get3A_517 = arith.index_cast %get3A_516 : i32 to index
          %get3A_518 = arith.index_cast %add3A_248 : i32 to index
          %get3A_519 = arith.constant 96 : index
          %get3A_520 = tpu.vector_load %arg12[%get3A_517, %get3A_518, %get3A_519] {strides = array<i32>} : memref<6x64x128xf32, #tpu.memory_space<vmem>>, vector<16xf32>,
          %mul3A_521 = arith.mulf %get3A_495, %get3A_515 : vector<16xf32>
          %mul3A_522 = arith.mulf %get3A_500, %get3A_520 : vector<16xf32>
          %add3A_523 = arith.addf %mul3A_521, %mul3A_522 : vector<16xf32>
          %mul3A_524 = arith.mulf %get3A_505, %add3A_523 : vector<16xf32>
          %add3A_525 = arith.addf %add3A_490, %mul3A_524 : vector<16xf32>
          %mul3A_526 = arith.mulf %get3A_495, %get3A_520 : vector<16xf32>
          %mul3A_527 = arith.mulf %get3A_500, %get3A_515 : vector<16xf32>
          %sub3A_528 = arith.subf %mul3A_526, %mul3A_527 : vector<16xf32>
          %mul3A_529 = arith.mulf %get3A_510, %sub3A_528 : vector<16xf32>
          %add3A_530 = arith.addf %add3A_525, %mul3A_529 : vector<16xf32>
          %get3A_531 = arith.constant 0 : i32
          %get3A_532 = arith.index_cast %get3A_531 : i32 to index
          %get3A_533 = arith.index_cast %add3A_248 : i32 to index
          %get3A_534 = arith.constant 48 : index
          %get3A_535 = tpu.vector_load %arg12[%get3A_532, %get3A_533, %get3A_534] {strides = array<i32>} : memref<6x64x128xf32, #tpu.memory_space<vmem>>, vector<16xf32>,
          %get3A_536 = arith.constant 0 : i32
          %get3A_537 = arith.index_cast %get3A_536 : i32 to index
          %get3A_538 = arith.index_cast %add3A_248 : i32 to index
          %get3A_539 = arith.constant 112 : index
          %get3A_540 = tpu.vector_load %arg12[%get3A_537, %get3A_538, %get3A_539] {strides = array<i32>} : memref<6x64x128xf32, #tpu.memory_space<vmem>>, vector<16xf32>,
          %get3A_541 = arith.constant 1 : i32
          %get3A_542 = arith.index_cast %get3A_541 : i32 to index
          %get3A_543 = arith.index_cast %add3A_248 : i32 to index
          %get3A_544 = arith.constant 48 : index
          %get3A_545 = tpu.vector_load %arg12[%get3A_542, %get3A_543, %get3A_544] {strides = array<i32>} : memref<6x64x128xf32, #tpu.memory_space<vmem>>, vector<16xf32>,
          %get3A_546 = arith.constant 1 : i32
          %get3A_547 = arith.index_cast %get3A_546 : i32 to index
          %get3A_548 = arith.index_cast %add3A_248 : i32 to index
          %get3A_549 = arith.constant 112 : index
          %get3A_550 = tpu.vector_load %arg12[%get3A_547, %get3A_548, %get3A_549] {strides = array<i32>} : memref<6x64x128xf32, #tpu.memory_space<vmem>>, vector<16xf32>,
          %get3A_551 = arith.constant 2 : i32
          %get3A_552 = arith.index_cast %get3A_551 : i32 to index
          %get3A_553 = arith.index_cast %add3A_248 : i32 to index
          %get3A_554 = arith.constant 48 : index
          %get3A_555 = tpu.vector_load %arg12[%get3A_552, %get3A_553, %get3A_554] {strides = array<i32>} : memref<6x64x128xf32, #tpu.memory_space<vmem>>, vector<16xf32>,
          %get3A_556 = arith.constant 2 : i32
          %get3A_557 = arith.index_cast %get3A_556 : i32 to index
          %get3A_558 = arith.index_cast %add3A_248 : i32 to index
          %get3A_559 = arith.constant 112 : index
          %get3A_560 = tpu.vector_load %arg12[%get3A_557, %get3A_558, %get3A_559] {strides = array<i32>} : memref<6x64x128xf32, #tpu.memory_space<vmem>>, vector<16xf32>,
          %mul3A_561 = arith.mulf %get3A_535, %get3A_555 : vector<16xf32>
          %mul3A_562 = arith.mulf %get3A_540, %get3A_560 : vector<16xf32>
          %add3A_563 = arith.addf %mul3A_561, %mul3A_562 : vector<16xf32>
          %mul3A_564 = arith.mulf %get3A_545, %add3A_563 : vector<16xf32>
          %add3A_565 = arith.addf %add3A_530, %mul3A_564 : vector<16xf32>
          %mul3A_566 = arith.mulf %get3A_535, %get3A_560 : vector<16xf32>
          %mul3A_567 = arith.mulf %get3A_540, %get3A_555 : vector<16xf32>
          %sub3A_568 = arith.subf %mul3A_566, %mul3A_567 : vector<16xf32>
          %mul3A_569 = arith.mulf %get3A_550, %sub3A_568 : vector<16xf32>
          %add3A_570 = arith.addf %add3A_565, %mul3A_569 : vector<16xf32>
          %sub3A_571 = arith.subf %add3A_408, %add3A_570 : vector<16xf32>
          %swap3A_572 = arith.index_cast %scan3A_245 : i32 to index
          %swap3A_573 = arith.constant 0 : index
          %swap3A_574 = tpu.vector_load %arg13[%swap3A_572, %swap3A_573] {strides = array<i32>} : memref<16x16xf32, #tpu.memory_space<vmem>>, vector<16xf32>,
          tpu.vector_store %arg13[%swap3A_572, %swap3A_573], %sub3A_571 {strides = array<i32>} : memref<16x16xf32, #tpu.memory_space<vmem>>, vector<16xf32>,
        }
        %scan3A_173 = arith.constant 16 : i32
        %broadcast_in_dim3A_174 = arith.constant 0.000000e+00 : f32
        %broadcast_in_dim3A_175 = vector.broadcast %broadcast_in_dim3A_174 : f32 to vector<16xf32>
        %broadcast_in_dim3A_176 = arith.constant 0 : i32
        %broadcast_in_dim3A_177 = vector.broadcast %broadcast_in_dim3A_176 : i32 to vector<16xi32>
        %gather3A = tpu.vector_load_idx %arg13[%iota3A, %broadcast_in_dim3A_177] : memref<16x16xf32, #tpu.memory_space<vmem>>[vector<16xi32>, vector<16xi32>], vector<16xf32>,
        %add3A_178 = arith.addf %broadcast_in_dim3A_175, %gather3A : vector<16xf32>
        %broadcast_in_dim3A_179 = arith.constant 1 : i32
        %broadcast_in_dim3A_180 = vector.broadcast %broadcast_in_dim3A_179 : i32 to vector<16xi32>
        %gather3A_181 = tpu.vector_load_idx %arg13[%iota3A, %broadcast_in_dim3A_180] : memref<16x16xf32, #tpu.memory_space<vmem>>[vector<16xi32>, vector<16xi32>], vector<16xf32>,
        %add3A_182 = arith.addf %add3A_178, %gather3A_181 : vector<16xf32>
        %broadcast_in_dim3A_183 = arith.constant 2 : i32
        %broadcast_in_dim3A_184 = vector.broadcast %broadcast_in_dim3A_183 : i32 to vector<16xi32>
        %gather3A_185 = tpu.vector_load_idx %arg13[%iota3A, %broadcast_in_dim3A_184] : memref<16x16xf32, #tpu.memory_space<vmem>>[vector<16xi32>, vector<16xi32>], vector<16xf32>,
        %add3A_186 = arith.addf %add3A_182, %gather3A_185 : vector<16xf32>
        %broadcast_in_dim3A_187 = arith.constant 3 : i32
        %broadcast_in_dim3A_188 = vector.broadcast %broadcast_in_dim3A_187 : i32 to vector<16xi32>
        %gather3A_189 = tpu.vector_load_idx %arg13[%iota3A, %broadcast_in_dim3A_188] : memref<16x16xf32, #tpu.memory_space<vmem>>[vector<16xi32>, vector<16xi32>], vector<16xf32>,
        %add3A_190 = arith.addf %add3A_186, %gather3A_189 : vector<16xf32>
        %broadcast_in_dim3A_191 = arith.constant 4 : i32
        %broadcast_in_dim3A_192 = vector.broadcast %broadcast_in_dim3A_191 : i32 to vector<16xi32>
        %gather3A_193 = tpu.vector_load_idx %arg13[%iota3A, %broadcast_in_dim3A_192] : memref<16x16xf32, #tpu.memory_space<vmem>>[vector<16xi32>, vector<16xi32>], vector<16xf32>,
        %add3A_194 = arith.addf %add3A_190, %gather3A_193 : vector<16xf32>
        %broadcast_in_dim3A_195 = arith.constant 5 : i32
        %broadcast_in_dim3A_196 = vector.broadcast %broadcast_in_dim3A_195 : i32 to vector<16xi32>
        %gather3A_197 = tpu.vector_load_idx %arg13[%iota3A, %broadcast_in_dim3A_196] : memref<16x16xf32, #tpu.memory_space<vmem>>[vector<16xi32>, vector<16xi32>], vector<16xf32>,
        %add3A_198 = arith.addf %add3A_194, %gather3A_197 : vector<16xf32>
        %broadcast_in_dim3A_199 = arith.constant 6 : i32
        %broadcast_in_dim3A_200 = vector.broadcast %broadcast_in_dim3A_199 : i32 to vector<16xi32>
        %gather3A_201 = tpu.vector_load_idx %arg13[%iota3A, %broadcast_in_dim3A_200] : memref<16x16xf32, #tpu.memory_space<vmem>>[vector<16xi32>, vector<16xi32>], vector<16xf32>,
        %add3A_202 = arith.addf %add3A_198, %gather3A_201 : vector<16xf32>
        %broadcast_in_dim3A_203 = arith.constant 7 : i32
        %broadcast_in_dim3A_204 = vector.broadcast %broadcast_in_dim3A_203 : i32 to vector<16xi32>
        %gather3A_205 = tpu.vector_load_idx %arg13[%iota3A, %broadcast_in_dim3A_204] : memref<16x16xf32, #tpu.memory_space<vmem>>[vector<16xi32>, vector<16xi32>], vector<16xf32>,
        %add3A_206 = arith.addf %add3A_202, %gather3A_205 : vector<16xf32>
        %broadcast_in_dim3A_207 = arith.constant 8 : i32
        %broadcast_in_dim3A_208 = vector.broadcast %broadcast_in_dim3A_207 : i32 to vector<16xi32>
        %gather3A_209 = tpu.vector_load_idx %arg13[%iota3A, %broadcast_in_dim3A_208] : memref<16x16xf32, #tpu.memory_space<vmem>>[vector<16xi32>, vector<16xi32>], vector<16xf32>,
        %add3A_210 = arith.addf %add3A_206, %gather3A_209 : vector<16xf32>
        %broadcast_in_dim3A_211 = arith.constant 9 : i32
        %broadcast_in_dim3A_212 = vector.broadcast %broadcast_in_dim3A_211 : i32 to vector<16xi32>
        %gather3A_213 = tpu.vector_load_idx %arg13[%iota3A, %broadcast_in_dim3A_212] : memref<16x16xf32, #tpu.memory_space<vmem>>[vector<16xi32>, vector<16xi32>], vector<16xf32>,
        %add3A_214 = arith.addf %add3A_210, %gather3A_213 : vector<16xf32>
        %broadcast_in_dim3A_215 = arith.constant 10 : i32
        %broadcast_in_dim3A_216 = vector.broadcast %broadcast_in_dim3A_215 : i32 to vector<16xi32>
        %gather3A_217 = tpu.vector_load_idx %arg13[%iota3A, %broadcast_in_dim3A_216] : memref<16x16xf32, #tpu.memory_space<vmem>>[vector<16xi32>, vector<16xi32>], vector<16xf32>,
        %add3A_218 = arith.addf %add3A_214, %gather3A_217 : vector<16xf32>
        %broadcast_in_dim3A_219 = arith.constant 11 : i32
        %broadcast_in_dim3A_220 = vector.broadcast %broadcast_in_dim3A_219 : i32 to vector<16xi32>
        %gather3A_221 = tpu.vector_load_idx %arg13[%iota3A, %broadcast_in_dim3A_220] : memref<16x16xf32, #tpu.memory_space<vmem>>[vector<16xi32>, vector<16xi32>], vector<16xf32>,
        %add3A_222 = arith.addf %add3A_218, %gather3A_221 : vector<16xf32>
        %broadcast_in_dim3A_223 = arith.constant 12 : i32
        %broadcast_in_dim3A_224 = vector.broadcast %broadcast_in_dim3A_223 : i32 to vector<16xi32>
        %gather3A_225 = tpu.vector_load_idx %arg13[%iota3A, %broadcast_in_dim3A_224] : memref<16x16xf32, #tpu.memory_space<vmem>>[vector<16xi32>, vector<16xi32>], vector<16xf32>,
        %add3A_226 = arith.addf %add3A_222, %gather3A_225 : vector<16xf32>
        %broadcast_in_dim3A_227 = arith.constant 13 : i32
        %broadcast_in_dim3A_228 = vector.broadcast %broadcast_in_dim3A_227 : i32 to vector<16xi32>
        %gather3A_229 = tpu.vector_load_idx %arg13[%iota3A, %broadcast_in_dim3A_228] : memref<16x16xf32, #tpu.memory_space<vmem>>[vector<16xi32>, vector<16xi32>], vector<16xf32>,
        %add3A_230 = arith.addf %add3A_226, %gather3A_229 : vector<16xf32>
        %broadcast_in_dim3A_231 = arith.constant 14 : i32
        %broadcast_in_dim3A_232 = vector.broadcast %broadcast_in_dim3A_231 : i32 to vector<16xi32>
        %gather3A_233 = tpu.vector_load_idx %arg13[%iota3A, %broadcast_in_dim3A_232] : memref<16x16xf32, #tpu.memory_space<vmem>>[vector<16xi32>, vector<16xi32>], vector<16xf32>,
        %add3A_234 = arith.addf %add3A_230, %gather3A_233 : vector<16xf32>
        %broadcast_in_dim3A_235 = arith.constant 15 : i32
        %broadcast_in_dim3A_236 = vector.broadcast %broadcast_in_dim3A_235 : i32 to vector<16xi32>
        %gather3A_237 = tpu.vector_load_idx %arg13[%iota3A, %broadcast_in_dim3A_236] : memref<16x16xf32, #tpu.memory_space<vmem>>[vector<16xi32>, vector<16xi32>], vector<16xf32>,
        %add3A_238 = arith.addf %add3A_234, %gather3A_237 : vector<16xf32>
        %add3A_239 = arith.constant 1.000000e+00 : f32
        %add3A_240 = vector.broadcast %add3A_239 : f32 to vector<16xf32>
        %add3A_241 = arith.addf %add3A_238, %add3A_240 : vector<16xf32>
        %max3A = arith.constant 0.000000e+00 : f32
        %max3A_242 = vector.broadcast %max3A : f32 to vector<16xf32>
        %max3A_243 = arith.maximumf %add3A_241, %max3A_242 : vector<16xf32>
        %add3A_244 = arith.addf %scan3A_168, %max3A_243 : vector<16xf32>
        scf.yield %add3A_244 : vector<16xf32>
      }
      %scan3A_166 = arith.constant 4 : i32
      scf.yield %scan3A_165 : vector<16xf32>
    }
    %scan3A_13 = arith.constant 8 : i32
    %swap3A = arith.constant 0 : index
    %swap3A_14 = tpu.vector_load %arg14[%swap3A] {strides = array<i32>} : memref<16xf32, #tpu.memory_space<vmem>>, vector<16xf32>,
    tpu.vector_store %arg14[%swap3A], %scan3A_12 {strides = array<i32>} : memref<16xf32, #tpu.memory_space<vmem>>, vector<16xf32>,
    %mul3A_15 = arith.constant 16 : i32
    %mul3A_16 = arith.muli %add3A, %mul3A_15 : i32
    "tpu.region"() ({
      %run_scoped3A_17 = tpu.sem_alloc : memref<!tpu.dma_semaphore, #tpu.memory_space<semaphore_mem>>
      %dma_start3A = tpu.memref_slice %arg10[%mul3A_16] : memref<512xf32, #tpu.memory_space<hbm>> -> memref<16xf32, #tpu.memory_space<hbm>>
      %dma_start3A_18 = tpu.memref_slice %arg10[%mul3A_16] : memref<512xf32, #tpu.memory_space<hbm>> -> memref<16xf32, #tpu.memory_space<hbm>>
      tpu.enqueue_dma source(%arg14 : memref<16xf32, #tpu.memory_space<vmem>>) target(%dma_start3A_18 : memref<16xf32, #tpu.memory_space<hbm>>) target_semaphore(%run_scoped3A_17 : memref<!tpu.dma_semaphore, #tpu.memory_space<semaphore_mem>>)
      %dma_wait3A = tpu.memref_slice %arg10[%mul3A_16] : memref<512xf32, #tpu.memory_space<hbm>> -> memref<16xf32, #tpu.memory_space<hbm>>
      %dma_wait3A_19 = tpu.memref_slice %arg10[%mul3A_16] : memref<512xf32, #tpu.memory_space<hbm>> -> memref<16xf32, #tpu.memory_space<hbm>>
      tpu.wait_dma2 semaphore(%run_scoped3A_17 : memref<!tpu.dma_semaphore, #tpu.memory_space<semaphore_mem>>) src(%arg14 : memref<16xf32, #tpu.memory_space<vmem>>) dst(%dma_wait3A_19 : memref<16xf32, #tpu.memory_space<hbm>>)
      tpu.yield
    }) : () -> ()
    return
  }
}

</mosaic_0001>

<sc_bundles>
// kernel: kernel.3.cloned.1.call-start
scs
__scs_entry_jumppad:
0x0: {  	(pc) =	sbr.rel $0x88, $3  }
0x1: {  	(tag) =	ssettag $0x0;
	lr =	simm.s32 $0x1  }
0x2: {  	[smem:$0x3F9B] =	sst lr;
	_ =	strace $0xD0000000  }
0x3: {  	_ = 	snop  }
0x4: {  	_ = 	snop  }
0x5: {  	_ = 	snop  }
0x6: {  	_ = 	snop  }
0x7: {  	_ = 	snop  }
__scs_overlays_trampoline_lowered:
0x8: {  	[smem:$0x3FAA] =	sst s0  }
0x9: {  	[smem:$0x3FAB] =	sst s1  }
0xa: {  	[smem:$0x3FAC] =	sst s2  }
0xb: {  	[smem:$0x3FAD] =	sst s3  }
0xc: {  	[smem:$0x3FAE] =	sst s4  }
0xd: {  	[smem:$0x3FAF] =	sst s5  }
0xe: {  	[smem:$0x3FB0] =	sst s6  }
0xf: {  	[smem:$0x3FB1] =	sst s7  }
0x10: {  	[smem:$0x3FB2] =	sst s8  }
0x11: {  	[smem:$0x3FB3] =	sst s9;
	s0 =	simm.s32 @!p0 $0x0  }
0x12: {  	s1 =	sld [smem:$0x3F99];
	s0 =	simm.s32 @p0 $0x1  }
0x13: {  	[smem:$0x3FB4] =	sst s0;
	s0 =	simm.s32 @!p1 $0x0  }
0x14: {  	s2 =	sld [smem:$0x3F98];
	s0 =	simm.s32 @p1 $0x1  }
0x15: {  	[smem:$0x3FB5] =	sst s0;
	s0 =	simm.s32 @!p2 $0x0  }
0x16: {  	s3 =	sld [smem:$0x3FDB];
	s0 =	simm.s32 @p2 $0x1  }
0x17: {  	s4 =	simm.s32 $0x1BF5;
	[smem:$0x3FB7] =	sst s0  }
0x18: {  	s0 =	sld [smem:$0x3F9A];
	_ =	swait.ge [sflag:s4], $0x0  }
0x19: {  	s7 =	sld [smem:$0x3F9B]  }
0x1a: {  	s8 =	sadd.s32 $0xFFFFE003, lr  }
0x1b: {  	s9 =	sadd.s32 $0xFFFFFEF7, lr;
	s5 =	simm.s32 $0xFFFFFFFF;
	p2 =	slt.u32 s8, $0xFFFFF086  }
0x1c: {  	p1 =	slt.u32 s9, $0xF7A;
	s5 =	simm.s32 @!p2 $0x0  }
0x1d: {  	s5 =	simm.s32 @p1 $0x1;
	p0 =	seq.s32 s7, s2  }
0x1e: {  	s7 =	smul.u32 @!p0 $0xF7A, s2;
	p2 =	seq.s32 @!p0 s5, $0x0  }
0x1f: {  	s9 =	smul.u32 $0xF7A, s1;
	s8 =	simm.s32 @!p0 $0x1BF5;
	p2 =	por !p2, p0  }
0x20: {  	[sflag:s8] =	ssyncset.s32 @!p0 $0xFFFFF086;
	s6 =	sadd.s32 @!p0 s3, s7;
	s7 =	simm.s32 @!p0 $0x108  }
0x21: {  	s3 =	sadd.s32 s3, s9;
	s6 =	sadd.s32 @!p0 $0x88, s6;
	s7 =	simm.s32 @p2 $0x1082  }
0x22: {  	[simem:s7], [sflag:s8] =	dma.local @!p0 [hbm:s6], $0xF7A  }
0x23: {  	s9 =	sor.u32 $0xD0000000, s2;
	s6 =	simm.s32 $0x108;
	_ =	swait.ge @!p0 [sflag:s8], $0x0  }
0x24: {  	s3 =	sadd.s32 $0x88, s3;
	s6 =	simm.s32 @!p1 $0x1082;
	[sflag:s4] =	ssyncset.s32 $0xFFFFF086  }
0x25: {  	[simem:s6], [sflag:s4] =	dma.local [hbm:s3], $0xF7A  }
0x26: {  	[smem:$0x3F9B] =	sst s1;
	(tag) =	ssettag s2;
	_ =	strace s9  }
0x27: {  	s1 =	sld [smem:$0x3FAB]  }
0x28: {  	s2 =	sld [smem:$0x3FAC]  }
0x29: {  	s4 =	sld [smem:$0x3FAE]  }
0x2a: {  	p0 =	seq.s32 s5, $0x0;
	s5 =	sld [smem:$0x3FAF]  }
0x2b: {  	s6 =	sld [smem:$0x3FB0]  }
0x2c: {  	s7 =	sld [smem:$0x3FB1]  }
0x2d: {  	s3 =	simm.s32 $0x108;
	s8 =	sld [smem:$0x3FB2]  }
0x2e: {  	s3 =	simm.s32 @!p0 $0x1082;
	s9 =	sld [smem:$0x3FB3]  }
0x2f: {  	lr =	sadd.s32 s0, s3;
	s0 =	sld [smem:$0x3FAA]  }
0x30: {  	s3 =	sld [smem:$0x3FAD]  }
0x31: {  	[smem:$0x3FB6] =	sst s10  }
0x32: {  	s10 =	sld [smem:$0x3FB4];
	_ =	sdelay $0x3  }
0x33: {  	p0 =	seq.s32 s10, $0x1;
	s10 =	sld [smem:$0x3FB6];
	_ =	sdelay $0x3  }
0x34: {  	[smem:$0x3FB6] =	sst s10  }
0x35: {  	s10 =	sld [smem:$0x3FB5];
	_ =	sdelay $0x3  }
0x36: {  	p1 =	seq.s32 s10, $0x1;
	s10 =	sld [smem:$0x3FB6];
	_ =	sdelay $0x3  }
0x37: {  	[smem:$0x3FB6] =	sst s10  }
0x38: {  	s10 =	sld [smem:$0x3FB7]  }
0x39: {  	_ = 	snop;
	(pc) =	sbr.ind lr, $3  }
0x3a: {  	_ = 	snop  }
0x3b: {  	_ = 	snop  }
0x3c: {  	p2 =	seq.s32 s10, $0x1;
	s10 =	sld [smem:$0x3FB6]  }
0x3d: {  	_ =	shalt  }
0x3e: {  	_ =	shalt  }
0x3f: {  	_ =	shalt  }
0x40: {  	_ =	shalt  }
0x41: {  	_ =	shalt  }
0x42: {  	_ =	shalt  }
0x43: {  	_ =	shalt  }
0x44: {  	_ =	shalt  }
0x45: {  	_ =	shalt  }
0x46: {  	_ =	shalt  }
0x47: {  	_ =	shalt  }
0x48: {  	_ =	shalt  }
0x49: {  	_ =	shalt  }
0x4a: {  	_ =	shalt  }
0x4b: {  	_ =	shalt  }
0x4c: {  	_ =	shalt  }
0x4d: {  	_ =	shalt  }
0x4e: {  	_ =	shalt  }
0x4f: {  	_ =	shalt  }
0x50: {  	_ =	shalt  }
0x51: {  	_ =	shalt  }
0x52: {  	_ =	shalt  }
0x53: {  	_ =	shalt  }
0x54: {  	_ =	shalt  }
0x55: {  	_ =	shalt  }
0x56: {  	_ =	shalt  }
0x57: {  	_ =	shalt  }
0x58: {  	_ =	shalt  }
0x59: {  	_ =	shalt  }
0x5a: {  	_ =	shalt  }
0x5b: {  	_ =	shalt  }
0x5c: {  	_ =	shalt  }
0x5d: {  	_ =	shalt  }
0x5e: {  	_ =	shalt  }
0x5f: {  	_ =	shalt  }
0x60: {  	_ =	shalt  }
0x61: {  	_ =	shalt  }
0x62: {  	_ =	shalt  }
0x63: {  	_ =	shalt  }
0x64: {  	_ =	shalt  }
0x65: {  	_ =	shalt  }
0x66: {  	_ =	shalt  }
0x67: {  	_ =	shalt  }
0x68: {  	_ =	shalt  }
0x69: {  	_ =	shalt  }
0x6a: {  	_ =	shalt  }
0x6b: {  	_ =	shalt  }
0x6c: {  	_ =	shalt  }
0x6d: {  	_ =	shalt  }
0x6e: {  	_ =	shalt  }
0x6f: {  	_ =	shalt  }
0x70: {  	_ =	shalt  }
0x71: {  	_ =	shalt  }
0x72: {  	_ =	shalt  }
0x73: {  	_ =	shalt  }
0x74: {  	_ =	shalt  }
0x75: {  	_ =	shalt  }
0x76: {  	_ =	shalt  }
0x77: {  	_ =	shalt  }
0x78: {  	_ =	shalt  }
0x79: {  	_ =	shalt  }
0x7a: {  	_ =	shalt  }
0x7b: {  	_ =	shalt  }
0x7c: {  	_ =	shalt  }
0x7d: {  	_ =	shalt  }
0x7e: {  	_ =	shalt  }
0x7f: {  	_ =	shalt  }
0x80: {  	_ =	shalt  }
0x81: {  	_ =	shalt  }
0x82: {  	_ =	shalt  }
0x83: {  	_ =	shalt  }
0x84: {  	_ =	shalt  }
0x85: {  	_ =	shalt  }
0x86: {  	_ =	shalt  }
0x87: {  	_ =	shalt  }
.Lfunc_end0:
.L_simem_size_0:
called_computation_lowered:
.L_overlay_start_0:
0x88: {  	s2 =	sld [smem:$0x3FD9]  }
0x89: {  	s3 =	sld [smem:$0x3FFE];
	_ =	sdelay $0x1  }
0x8a: {  	s1 =	srdreg.scid  }
0x8b: {  	s0 =	sand.u32 $0x1, s1  }
0x8c: {  	s16 =	sshll.u32 s0, $0xA;
	s2 =	sadd.s32 s3, s2  }
0x8d: {  	s2 =	sadd.s32 s2, s16  }
0x8e: {  	[smem:$0x3FC2] =	sst s2  }
0x8f: {  	_ = 	snop  }
0x90: {  	(tm) =	ssettm $0x1  }
0x91: {  	s17 =	sld [smem:$0x3FFB];
	_ =	sdelay $0x3  }
0x92: {  	_ =	strace s17  }
0x93: {  	s2 =	sld [smem:$0x3FFC];
	_ =	sdelay $0x3  }
0x94: {  	_ =	strace s2  }
0x95: {  	s2 =	sld [smem:$0x3FFD];
	_ =	sdelay $0x3  }
0x96: {  	_ =	strace s2  }
0x97: {  	_ =	strace $0x8FFFFFFF  }
0x98: {  	s18 =	sld [smem:$0x3FDB];
	_ =	sdelay $0x1  }
0x99: {  	s19 =	simm.s32 $_scs_section_size  }
0x9a: {  	s4 =	simm.s32 $_size__tile_overlayer_lowered;
	s5 =	simm.s32 $_tile_overlayer_lowered  }
0x9b: {  	s22 =	simm.s32 $0x1BFF;
	s21 =	sshll.u32 s5, $0x1;
	s2 =	sadd.s32 s19, s18  }
0x9c: {  	s6 =	simm.s32 $0x0;
	s20 =	sshll.u32 s4, $0x1;
	s4 =	sadd.s32 s21, s2  }
0x9d: {  	[timem:s6], [sflag:s22] =	dma.local [hbm:s4], s20  }
0x9e: {  	_ =	swait.ge [sflag:s22], s20  }
0x9f: {  	s3 =	ssub.s32 $0x0, s20;
	[sflag:s22] =	ssyncset.done $0x0  }
0xa0: {  	[sflag:s22] =	ssyncadd.s32 s3;
	_ =	sdelay $0x1  }
0xa1: {  	s23 =	simm.s32 $0x1B8B  }
0xa2: {  	_ =	swait.ge [sflag:s23], $0x1  }
0xa3: {  	[sflag:s23] =	ssyncset.done $0x0  }
0xa4: {  	s25 =	simm.s32 $0x1B8E;
	s24 =	sld [smem:$0x3FFE];
	[sflag:s23] =	ssyncadd.s32 $0xFFFFFFFF  }
0xa5: {  	s26 =	simm.s32 $execute0_lowered;
	[smem:$0x3FD2] =	sst s25  }
0xa6: {  	s4 =	sshll.u32 s26, $0x1;
	_ =	strace $0x80000046;
	[dreg:$0x1] =	wrdreg $0xFFFFFFFF  }
0xa7: {  	s28 =	simm.s32 $_size_execute0_lowered;
	s2 =	sadd.s32 s2, s4;
	[dreg:$0x0] =	wrdreg $0x0  }
0xa8: {  	s4 =	sshll.u32 s28, $0x1;
	[dreg:$0x2] =	wrdreg s2  }
0xa9: {  	[dreg:$0x3] =	wrdreg s4  }
0xaa: {  	[dreg:$0x4] =	wrdreg $0xC0  }
0xab: {  	_ =	task [dreg:s6], $0x5FFFF  }
0xac: {  	[dreg:$0x1] =	wrdreg $0xFFFFFFFF  }
0xad: {  	[dreg:$0x0] =	wrdreg $0x60  }
0xae: {  	[dreg:$0x2] =	wrdreg s24  }
0xaf: {  	[dreg:$0x3] =	wrdreg $0x9  }
0xb0: {  	_ =	task.clear_ibuf [dreg:s6], $0x4FFFF;
	_ =	strace $0x90000046  }
0xb1: {  	s29 =	simm.s32 $0x9;
	_ =	strace $0x80000048  }
0xb2: {  	_ =	swait.ge [sflag:s29], $0x1  }
0xb3: {  	[sflag:s29] =	ssyncadd.s32 $0xFFFFFFFF  }
0xb4: {  	_ =	strace $0x90000048  }
0xb5: {  	_ =	sfence  }
0xb6: {  	s30 =	sld [smem:$0x0];
	_ =	sdelay $0x2  }
0xb7: {  	s31 =	sshll.u32 s1, $0xD;
	s1 =	sshrl.u32 s1, $0x2  }
0xb8: {  	s3 =	sand.u32 $0x4000, s31;
	s1 =	sadd.s32 s1, s30  }
0xb9: {  	s0 =	sor.u32 s3, s0;
	s1 =	sshll.u32 s1, $0x11  }
0xba: {  	s0 =	sor.u32 s1, s0  }
0xbb: {  	s0 =	sadd.s32 $0x8F2B, s0  }
0xbc: {  	[sflag:s0] =	ssyncadd.remote.s32 $0x1  }
0xbd: {  	_ =	sfence.sel $0xFFFF  }
0xbe: {  	[dreg:$0x0] =	wrdreg $0xFFFFFFFF;
	(pc) =	sbr.abs _section_cstart, $3  }
0xbf: {  	[dreg:$0x1] =	wrdreg $0xFFFFFFFF  }
0xc0: {  	_ =	task.clear_ibuf [dreg:s6], $0x2FFFF;
	_ =	strace $0x9FFFFFFF  }
0xc1: {  	(tm) =	ssettm $0x7FFFFFFF  }
tec
execute0_lowered:
.L_overlay_start_1:
0x0: {  	(tag) =	ssettag $0x1  }
0x1: {  	s0 =	srdreg.scid  }
0x2: {  	s2 =	stileid.u32;
	s1 =	rddreg [dreg:$0x0];
	s13 =	simm.s32 $0x2  }
0x3: {  	s16 =	simm.s32 $0x600;
	s17 =	simm.s32 $0x800;
	s18 =	simm.s32 $0xA00  }
0x4: {  	s19 =	simm.s32 $0x40;
	s20 =	simm.s32 $0x2C00;
	s21 =	simm.s32 $0x4C00  }
0x5: {  	s22 =	simm.s32 $0x6C00;
	s23 =	simm.s32 $0x8C00;
	s24 =	simm.s32 $0xAC00  }
0x6: {  	s25 =	simm.s32 $0x1;
	s26 =	simm.s32 $0xCC00;
	s28 =	simm.s32 $0xCD00  }
0x7: {  	v0 =	vlaneseq.u32;
	s0 =	sand.u32 $0x1, s0;
	s3 =	sshll.u32 s2, $0x1;
	s2 =	simm.s32 $0x0  }
0x8: {  	s29 =	simm.s32 $0x0;
	v0 =	vmul.u32 $0x10, v0;
	s4 =	sor.u32 s0, s3;
	[smem:$0x7FF] =	sst s2  }
0x9: {  	s0 =	ssub.s32 $0x2, s0;
	s3 =	sshll.u32 s4, $0x6;
	_ =	strace $0x80000047  }
0xa: {  	s5 =	sshll.u32 s4, $0x1;
	s6 =	sshrl.u32 s0, $0x1;
	s4 =	sadd.s32 $0x3400, s1;
	v1 =	vor.u32 $0x1, v0;
	v2 =	vor.u32 $0x2, v0;
	v3 =	vor.u32 $0x3, v0  }
0xb: {  	v4 =	vor.u32 $0x4, v0;
	v5 =	vor.u32 $0x5, v0;
	v6 =	vor.u32 $0x6, v0;
	s10 =	sadd.s32 s3, s1;
	s3 =	sadd.s32 $0x3D0C400, s1;
	s1 =	sadd.s32 s5, s1  }
0xc: {  	v7 =	vor.u32 $0x7, v0;
	v8 =	vor.u32 $0x8, v0;
	v9 =	vor.u32 $0x9, v0;
	s0 =	ssub.s32 s0, s6;
	s5 =	sadd.s32 $0x1400, s10;
	s6 =	sadd.s32 $0xC00, s10  }
0xd: {  	v10 =	vor.u32 $0xA, v0;
	v11 =	vor.u32 $0xB, v0;
	v12 =	vor.u32 $0xC, v0;
	s7 =	sadd.s32 $0x400, s10;
	s8 =	sadd.s32 $0x2C00, s10;
	s9 =	sadd.s32 $0x2400, s10  }
0xe: {  	v13 =	vor.u32 $0xD, v0;
	v14 =	vor.u32 $0xE, v0;
	v15 =	vor.u32 $0xF, v0;
	s10 =	sadd.s32 $0x1C00, s10;
	s11 =	sadd.s32 $0xF45800, s1;
	s12 =	smax.u32 s0, $0x1  }
.LBB2_1:
0xf: {  	[tilespmem:s2], [sflag:$0x2] =	stream.linear.gather [hbm4b:s5+s2], $0x200, $0x38;
	[tilespmem:$0xCD10] =	vst v63  }
0x10: {  	_ =	swait.ge [sflag:s13], $0x200  }
0x11: {  	[sflag:s13] =	ssyncset.done $0x0  }
0x12: {  	s0 =	simm.s32 $0x200;
	[sflag:s13] =	ssyncadd.s32 $0xFFFFFE00  }
0x13: {  	[tilespmem:s0], [sflag:$0x2] =	stream.linear.gather [hbm4b:s6+s2], $0x200, $0x38;
	[tilespmem:$0xCD10] =	vst v63  }
0x14: {  	_ =	swait.ge [sflag:s13], $0x200  }
0x15: {  	[sflag:s13] =	ssyncset.done $0x0  }
0x16: {  	s31 =	simm.s32 $0x400;
	[sflag:s13] =	ssyncadd.s32 $0xFFFFFE00  }
0x17: {  	[tilespmem:s31], [sflag:$0x2] =	stream.linear.gather [hbm4b:s7+s2], $0x200, $0x38;
	[tilespmem:$0xCD10] =	vst v63  }
0x18: {  	_ =	swait.ge [sflag:s13], $0x200  }
0x19: {  	[sflag:s13] =	ssyncset.done $0x0  }
0x1a: {  	[sflag:s13] =	ssyncadd.s32 $0xFFFFFE00  }
0x1b: {  	[tilespmem:s16], [sflag:$0x2] =	stream.linear.gather [hbm4b:s8+s2], $0x200, $0x38;
	[tilespmem:$0xCD10] =	vst v63  }
0x1c: {  	_ =	swait.ge [sflag:s13], $0x200  }
0x1d: {  	[sflag:s13] =	ssyncset.done $0x0  }
0x1e: {  	[sflag:s13] =	ssyncadd.s32 $0xFFFFFE00  }
0x1f: {  	[tilespmem:s17], [sflag:$0x2] =	stream.linear.gather [hbm4b:s9+s2], $0x200, $0x38;
	[tilespmem:$0xCD10] =	vst v63  }
0x20: {  	_ =	swait.ge [sflag:s13], $0x200  }
0x21: {  	[sflag:s13] =	ssyncset.done $0x0  }
0x22: {  	[sflag:s13] =	ssyncadd.s32 $0xFFFFFE00  }
0x23: {  	[tilespmem:s18], [sflag:$0x2] =	stream.linear.gather [hbm4b:s10+s2], $0x200, $0x38;
	[tilespmem:$0xCD10] =	vst v63  }
0x24: {  	_ =	swait.ge [sflag:s13], $0x200  }
0x25: {  	[sflag:s13] =	ssyncset.done $0x0  }
0x26: {  	v16 =	vimm.f32 $0.0e+00;
	s30 =	simm.s32 $0x0;
	[sflag:s13] =	ssyncadd.s32 $0xFFFFFE00  }
.LBB2_2:
0x27: {  	s0 =	sshll.u32 s30, $0x6  }
0x28: {  	s31 =	simm.s32 $0xC00;
	s0 =	sand.u32 $0x3FFFFFC0, s0  }
0x29: {  	[tilespmem:s31], [sflag:$0x1] =	stream.indirect.gather [hbm4b:s3+s19], $0x80, s0, s19, $0xb8;
	[tilespmem:$0xCD10] =	vst v63  }
0x2a: {  	s1 =	sadd.s32 $0x200, s0  }
0x2b: {  	[tilespmem:s20], [sflag:$0x1] =	stream.indirect.gather [hbm4b:s4+s19], $0x80, s1, s19, $0xb8;
	[tilespmem:$0xCD10] =	vst v63  }
0x2c: {  	s15 =	sadd.s32 $0x400, s0  }
0x2d: {  	[tilespmem:s21], [sflag:$0x1] =	stream.indirect.gather [hbm4b:s3+s19], $0x80, s15, s19, $0xb8;
	[tilespmem:$0xCD10] =	vst v63  }
0x2e: {  	s14 =	sadd.s32 $0x600, s0  }
0x2f: {  	[tilespmem:s22], [sflag:$0x1] =	stream.indirect.gather [hbm4b:s3+s19], $0x80, s14, s19, $0xb8;
	[tilespmem:$0xCD10] =	vst v63  }
0x30: {  	s15 =	sadd.s32 $0x800, s0  }
0x31: {  	[tilespmem:s23], [sflag:$0x1] =	stream.indirect.gather [hbm4b:s4+s19], $0x80, s15, s19, $0xb8;
	[tilespmem:$0xCD10] =	vst v63  }
0x32: {  	s0 =	sadd.s32 $0xA00, s0  }
0x33: {  	[tilespmem:s24], [sflag:$0x1] =	stream.indirect.gather [hbm4b:s3+s19], $0x80, s0, s19, $0xb8;
	[tilespmem:$0xCD10] =	vst v63  }
0x34: {  	_ =	swait.ge [sflag:s25], $0x2000  }
0x35: {  	[sflag:s25] =	ssyncset.done $0x0  }
0x36: {  	[sflag:s25] =	ssyncadd.s32 $0xFFFFE000  }
0x37: {  	_ =	swait.ge [sflag:s25], $0x2000  }
0x38: {  	[sflag:s25] =	ssyncset.done $0x0  }
0x39: {  	[sflag:s25] =	ssyncadd.s32 $0xFFFFE000  }
0x3a: {  	_ =	swait.ge [sflag:s25], $0x2000  }
0x3b: {  	[sflag:s25] =	ssyncset.done $0x0  }
0x3c: {  	[sflag:s25] =	ssyncadd.s32 $0xFFFFE000  }
0x3d: {  	_ =	swait.ge [sflag:s25], $0x2000  }
0x3e: {  	[sflag:s25] =	ssyncset.done $0x0  }
0x3f: {  	[sflag:s25] =	ssyncadd.s32 $0xFFFFE000  }
0x40: {  	_ =	swait.ge [sflag:s25], $0x2000  }
0x41: {  	[sflag:s25] =	ssyncset.done $0x0  }
0x42: {  	[sflag:s25] =	ssyncadd.s32 $0xFFFFE000  }
0x43: {  	_ =	swait.ge [sflag:s25], $0x2000  }
0x44: {  	[sflag:s25] =	ssyncset.done $0x0  }
0x45: {  	s1 =	simm.s32 $0x0;
	[sflag:s25] =	ssyncadd.s32 $0xFFFFE000  }
.LBB2_3:
0x46: {  	v17 =	vmov s31;
	_ =	sdelay $0x3  }
0x47: {  	s0 =	simm.s32 $0x0  }
0x48: {  	v18 =	vld.idx.msk [tilespmem:v17+s0+$0xA030 ss:$0x1], $0xffff  }
0x49: {  	v19 =	vld.idx.msk [tilespmem:v17+s0+$0x6030 ss:$0x1], $0xffff  }
0x4a: {  	v20 =	vld.idx.msk [tilespmem:v17+s0+$0xA070 ss:$0x1], $0xffff  }
0x4b: {  	v21 =	vld.idx.msk [tilespmem:v17+s0+$0x6070 ss:$0x1], $0xffff  }
0x4c: {  	v22 =	vld.idx.msk [tilespmem:v17+s0+$0x4030 ss:$0x1], $0xffff  }
0x4d: {  	v23 =	vld.idx.msk [tilespmem:v17+s0+$0x30 ss:$0x1], $0xffff  }
0x4e: {  	v24 =	vld.idx.msk [tilespmem:v17+s0+$0x4070 ss:$0x1], $0xffff  }
0x4f: {  	v25 =	vld.idx.msk [tilespmem:v17+s0+$0x70 ss:$0x1], $0xffff  }
0x50: {  	v26 =	vld.idx.msk [tilespmem:v17+s0+$0xA020 ss:$0x1], $0xffff  }
0x51: {  	v27 =	vld.idx.msk [tilespmem:v17+s0+$0x6020 ss:$0x1], $0xffff  }
0x52: {  	v28 =	vld.idx.msk [tilespmem:v17+s0+$0xA060 ss:$0x1], $0xffff  }
0x53: {  	v29 =	vld.idx.msk [tilespmem:v17+s0+$0x6060 ss:$0x1], $0xffff  }
0x54: {  	v30 =	vld.idx.msk [tilespmem:v17+s0+$0x4020 ss:$0x1], $0xffff  }
0x55: {  	v31 =	vld.idx.msk [tilespmem:v17+s0+$0x20 ss:$0x1], $0xffff  }
0x56: {  	v32 =	vld.idx.msk [tilespmem:v17+s0+$0x4060 ss:$0x1], $0xffff  }
0x57: {  	v33 =	vld.idx.msk [tilespmem:v17+s0+$0x60 ss:$0x1], $0xffff  }
0x58: {  	v34 =	vld.idx.msk [tilespmem:v17+s0+$0xA010 ss:$0x1], $0xffff  }
0x59: {  	v35 =	vld.idx.msk [tilespmem:v17+s0+$0x6010 ss:$0x1], $0xffff  }
0x5a: {  	v36 =	vld.idx.msk [tilespmem:v17+s0+$0xA050 ss:$0x1], $0xffff  }
0x5b: {  	v37 =	vld.idx.msk [tilespmem:v17+s0+$0x6050 ss:$0x1], $0xffff  }
0x5c: {  	v38 =	vld.idx.msk [tilespmem:v17+s0+$0x4010 ss:$0x1], $0xffff  }
0x5d: {  	v39 =	vld.idx.msk [tilespmem:v17+s0+$0x10 ss:$0x1], $0xffff  }
0x5e: {  	v40 =	vld.idx.msk [tilespmem:v17+s0+$0xA000 ss:$0x1], $0xffff  }
0x5f: {  	v41 =	vld.idx.msk [tilespmem:v17+s0+$0x6000 ss:$0x1], $0xffff  }
0x60: {  	v43 =	vld.idx.msk [tilespmem:v17+s0+$0xA040 ss:$0x1], $0xffff;
	v42 =	vmul.f32 v18, v19;
	v19 =	vmul.f32 v20, v19  }
0x61: {  	v44 =	vld.idx.msk [tilespmem:v17+s0+$0x6040 ss:$0x1], $0xffff;
	v18 =	vmul.f32 v18, v21;
	v20 =	vmul.f32 v20, v21  }
0x62: {  	v45 =	vld.idx.msk [tilespmem:v17+s0+$0x4000 ss:$0x1], $0xffff;
	v21 =	vmul.f32 v22, v23;
	v46 =	vmul.f32 v24, v25  }
0x63: {  	v48 =	vld.idx.msk [tilespmem:v17+s0+$0x4040 ss:$0x1], $0xffff;
	v23 =	vmul.f32 v24, v23;
	v47 =	vmul.f32 v26, v27  }
0x64: {  	v52 =	vld.idx.msk [tilespmem:v17+s0+$0x4050 ss:$0x1], $0xffff;
	v27 =	vmul.f32 v28, v27;
	v28 =	vmul.f32 v28, v29  }
0x65: {  	v24 =	vld.idx.msk [tilespmem:v17+s0+$0x0 ss:$0x1], $0xffff;
	v26 =	vmul.f32 v26, v29;
	v49 =	vmul.f32 v30, v31  }
0x66: {  	v29 =	vld.idx.msk [tilespmem:v17+s0+$0x40 ss:$0x1], $0xffff;
	v31 =	vmul.f32 v32, v31;
	v51 =	vmul.f32 v34, v35  }
0x67: {  	v53 =	vld.idx.msk [tilespmem:v17+s0+$0x50 ss:$0x1], $0xffff;
	v32 =	vmul.f32 v32, v33;
	v35 =	vmul.f32 v36, v35  }
0x68: {  	v34 =	vmul.f32 v34, v37;
	v36 =	vmul.f32 v36, v37  }
0x69: {  	v50 =	vld.idx.msk [tilespmem:v17+s0+$0x8000 ss:$0x1], $0xffff;
	v37 =	vmul.f32 v38, v39;
	v54 =	vmul.f32 v40, v41  }
0x6a: {  	v55 =	vmul.f32 v43, v44;
	v41 =	vmul.f32 v43, v41;
	v20 =	vadd.f32 v20, v42;
	v42 =	vld.idx.msk [tilespmem:v17+s0+$0x2000 ss:$0x1], $0xffff  }
0x6b: {  	v28 =	vadd.f32 v28, v47;
	v47 =	vld.idx.msk [tilespmem:v17+s0+$0x8040 ss:$0x1], $0xffff;
	v63 =	vmul.f32 v45, v24;
	v56 =	vmul.f32 v48, v29  }
0x6c: {  	v57 =	vld.idx.msk [tilespmem:v17+s0+$0x2040 ss:$0x1], $0xffff;
	v40 =	vmul.f32 v40, v44;
	v62 =	vmul.f32 v52, v53;
	v54 =	vadd.f32 v55, v54  }
0x6d: {  	v59 =	vld.idx.msk [tilespmem:v17+s0+$0x8010 ss:$0x1], $0xffff;
	v24 =	vmul.f32 v48, v24;
	v29 =	vmul.f32 v45, v29;
	v60 =	vadd.f32 v56, v63  }
0x6e: {  	v61 =	vld.idx.msk [tilespmem:v17+s0+$0x2010 ss:$0x1], $0xffff;
	v39 =	vmul.f32 v52, v39;
	v40 =	vsub.f32 v41, v40;
	v50 =	vmul.f32 v54, v50  }
0x6f: {  	v38 =	vmul.f32 v38, v53;
	v63 =	vld.idx.msk [tilespmem:v17+s0+$0x8050 ss:$0x1], $0xffff;
	v24 =	vsub.f32 v24, v29;
	v42 =	vmul.f32 v60, v42  }
0x70: {  	v36 =	vadd.f32 v36, v51;
	v53 =	vadd.f32 $0.0e+00, v50;
	v29 =	vld.idx.msk [tilespmem:v17+s0+$0x2050 ss:$0x1], $0xffff;
	v40 =	vmul.f32 v40, v47  }
0x71: {  	v52 =	vld.idx.msk [tilespmem:v17+s0+$0x8020 ss:$0x1], $0xffff;
	v37 =	vadd.f32 v62, v37;
	v24 =	vmul.f32 v24, v57;
	v42 =	vadd.f32 $0.0e+00, v42  }
0x72: {  	v34 =	vsub.f32 v35, v34;
	v54 =	vld.idx.msk [tilespmem:v17+s0+$0x2020 ss:$0x1], $0xffff;
	v36 =	vmul.f32 v36, v59;
	v57 =	vadd.f32 v53, v40  }
0x73: {  	v58 =	vld.idx.msk [tilespmem:v17+s0+$0x2060 ss:$0x1], $0xffff;
	v55 =	vsub.f32 v39, v38;
	v37 =	vmul.f32 v37, v61;
	v24 =	vadd.f32 v42, v24  }
0x74: {  	v30 =	vmul.f32 v30, v33;
	v32 =	vadd.f32 v32, v49;
	v56 =	vld.idx.msk [tilespmem:v17+s0+$0x8060 ss:$0x1], $0xffff;
	v36 =	vadd.f32 v36, v57  }
0x75: {  	v59 =	vld.idx.msk [tilespmem:v17+s0+$0x8030 ss:$0x1], $0xffff;
	v34 =	vmul.f32 v34, v63;
	v29 =	vmul.f32 v55, v29;
	v24 =	vadd.f32 v37, v24  }
0x76: {  	v26 =	vsub.f32 v27, v26;
	v27 =	vsub.f32 v31, v30;
	v28 =	vmul.f32 v28, v52;
	v60 =	vld.idx.msk [tilespmem:v17+s0+$0x2030 ss:$0x1], $0xffff  }
0x77: {  	v30 =	vld.idx.msk [tilespmem:v17+s0+$0x8070 ss:$0x1], $0xffff;
	v31 =	vadd.f32 v36, v34;
	v24 =	vadd.f32 v24, v29;
	v29 =	vmul.f32 v32, v54  }
0x78: {  	v22 =	vmul.f32 v22, v25;
	v21 =	vadd.f32 v46, v21;
	v61 =	vld.idx.msk [tilespmem:v17+s0+$0x2070 ss:$0x1], $0xffff;
	v27 =	vmul.f32 v27, v58  }
0x79: {  	v26 =	vmul.f32 v26, v56;
	v25 =	vadd.f32 v28, v31;
	v24 =	vadd.f32 v29, v24  }
0x7a: {  	v18 =	vsub.f32 v19, v18;
	v19 =	vsub.f32 v23, v22;
	v20 =	vmul.f32 v20, v59  }
0x7b: {  	v21 =	vmul.f32 v21, v60;
	v22 =	vadd.f32 v25, v26;
	v23 =	vadd.f32 v24, v27  }
0x7c: {  	v18 =	vmul.f32 v18, v30  }
0x7d: {  	v19 =	vmul.f32 v19, v61;
	v20 =	vadd.f32 v20, v22;
	v21 =	vadd.f32 v21, v23;
	_ =	sdelay $0x1  }
0x7e: {  	v18 =	vadd.f32 v20, v18;
	v19 =	vadd.f32 v21, v19;
	_ =	sdelay $0x1  }
0x7f: {  	v18 =	vsub.f32 v18, v19  }
0x80: {  	s0 =	simm.s32 $0xCC00  }
0x81: {  	s14 =	simm.s32 $0x80;
	[tilespmem:s0+$0x0] =	vst v18  }
0x82: {  	v21 =	vld.idx.msk [tilespmem:v17+s14+$0xA030 ss:$0x1], $0xffff  }
0x83: {  	v20 =	vld.idx.msk [tilespmem:v17+s14+$0x6030 ss:$0x1], $0xffff  }
0x84: {  	v24 =	vld.idx.msk [tilespmem:v17+s14+$0xA070 ss:$0x1], $0xffff  }
0x85: {  	v25 =	vld.idx.msk [tilespmem:v17+s14+$0x6070 ss:$0x1], $0xffff  }
0x86: {  	v18 =	vld.idx.msk [tilespmem:v17+s14+$0x4030 ss:$0x1], $0xffff  }
0x87: {  	v27 =	vld.idx.msk [tilespmem:v17+s14+$0x30 ss:$0x1], $0xffff  }
0x88: {  	v62 =	vld.idx.msk [tilespmem:v17+s14+$0x4070 ss:$0x1], $0xffff  }
0x89: {  	v19 =	vld.idx.msk [tilespmem:v17+s14+$0x70 ss:$0x1], $0xffff  }
0x8a: {  	v35 =	vld.idx.msk [tilespmem:v17+s14+$0xA020 ss:$0x1], $0xffff  }
0x8b: {  	v63 =	vld.idx.msk [tilespmem:v17+s14+$0x6020 ss:$0x1], $0xffff  }
0x8c: {  	v42 =	vld.idx.msk [tilespmem:v17+s14+$0xA060 ss:$0x1], $0xffff  }
0x8d: {  	v44 =	vld.idx.msk [tilespmem:v17+s14+$0x6060 ss:$0x1], $0xffff  }
0x8e: {  	v22 =	vld.idx.msk [tilespmem:v17+s14+$0x4020 ss:$0x1], $0xffff  }
0x8f: {  	v40 =	vld.idx.msk [tilespmem:v17+s14+$0x20 ss:$0x1], $0xffff  }
0x90: {  	v36 =	vld.idx.msk [tilespmem:v17+s14+$0x4060 ss:$0x1], $0xffff  }
0x91: {  	v23 =	vld.idx.msk [tilespmem:v17+s14+$0x60 ss:$0x1], $0xffff  }
0x92: {  	v37 =	vld.idx.msk [tilespmem:v17+s14+$0xA010 ss:$0x1], $0xffff  }
0x93: {  	v43 =	vld.idx.msk [tilespmem:v17+s14+$0x6010 ss:$0x1], $0xffff  }
0x94: {  	v39 =	vld.idx.msk [tilespmem:v17+s14+$0xA050 ss:$0x1], $0xffff  }
0x95: {  	v41 =	vld.idx.msk [tilespmem:v17+s14+$0x6050 ss:$0x1], $0xffff  }
0x96: {  	v28 =	vld.idx.msk [tilespmem:v17+s14+$0x4010 ss:$0x1], $0xffff  }
0x97: {  	v29 =	vld.idx.msk [tilespmem:v17+s14+$0x10 ss:$0x1], $0xffff  }
0x98: {  	v30 =	vld.idx.msk [tilespmem:v17+s14+$0xA000 ss:$0x1], $0xffff  }
0x99: {  	v31 =	vld.idx.msk [tilespmem:v17+s14+$0x6000 ss:$0x1], $0xffff  }
0x9a: {  	v32 =	vld.idx.msk [tilespmem:v17+s14+$0xA040 ss:$0x1], $0xffff;
	v46 =	vmul.f32 v21, v20  }
0x9b: {  	v33 =	vld.idx.msk [tilespmem:v17+s14+$0x6040 ss:$0x1], $0xffff;
	v20 =	vmul.f32 v24, v20;
	v21 =	vmul.f32 v21, v25  }
0x9c: {  	v34 =	vld.idx.msk [tilespmem:v17+s14+$0x4000 ss:$0x1], $0xffff;
	v47 =	vmul.f32 v24, v25;
	v25 =	vmul.f32 v18, v27  }
0x9d: {  	v38 =	vld.idx.msk [tilespmem:v17+s14+$0x0 ss:$0x1], $0xffff;
	v26 =	vmul.f32 v62, v19;
	v24 =	vmul.f32 v62, v27  }
0x9e: {  	s15 =	simm.s32 $0x400;
	v45 =	vld.idx.msk [tilespmem:v17+s14+$0x4040 ss:$0x1], $0xffff;
	v48 =	vmul.f32 v35, v63;
	v27 =	vmul.f32 v42, v63  }
.LBB2_4:
0x9f: {  	p0 =	sne.s32 s15, $0x1E00;
	v42 =	vmul.f32 v42, v44;
	v35 =	vmul.f32 v35, v44;
	v44 =	vld.idx.msk [tilespmem:v17+s14+$0x40 ss:$0x1], $0xffff  }
0xa0: {  	v50 =	vmul.f32 v22, v40;
	v40 =	vmul.f32 v36, v40;
	v49 =	vld.idx.msk [tilespmem:v17+s14+$0x8000 ss:$0x1], $0xffff  }
0xa1: {  	v51 =	vmul.f32 v37, v43;
	v36 =	vmul.f32 v36, v23;
	v52 =	vld.idx.msk [tilespmem:v17+s14+$0x4050 ss:$0x1], $0xffff  }
0xa2: {  	v43 =	vmul.f32 v39, v43;
	v37 =	vmul.f32 v37, v41;
	v53 =	vld.idx.msk [tilespmem:v17+s14+$0x50 ss:$0x1], $0xffff  }
0xa3: {  	v39 =	vmul.f32 v39, v41;
	v41 =	vadd.f32 v47, v46;
	v47 =	vmul.f32 v28, v29;
	v46 =	vld.idx.msk [tilespmem:v17+s14+$0x2000 ss:$0x1], $0xffff  }
0xa4: {  	v55 =	vmul.f32 v30, v31;
	v56 =	vmul.f32 v32, v33;
	v42 =	vadd.f32 v42, v48;
	v54 =	vld.idx.msk [tilespmem:v17+s14+$0x8040 ss:$0x1], $0xffff  }
0xa5: {  	v39 =	vadd.f32 v39, v51;
	v51 =	vmul.f32 v34, v38;
	v57 =	vmul.f32 v45, v44;
	v48 =	vld.idx.msk [tilespmem:v17+s14+$0x2040 ss:$0x1], $0xffff  }
0xa6: {  	v31 =	vmul.f32 v32, v31;
	v30 =	vmul.f32 v30, v33;
	v55 =	vadd.f32 v56, v55;
	v32 =	vld.idx.msk [tilespmem:v17+s14+$0x8010 ss:$0x1], $0xffff  }
0xa7: {  	v38 =	vmul.f32 v45, v38;
	v34 =	vmul.f32 v34, v44;
	v33 =	vadd.f32 v57, v51;
	v44 =	vld.idx.msk [tilespmem:v17+s14+$0x2010 ss:$0x1], $0xffff  }
0xa8: {  	v30 =	vsub.f32 v31, v30;
	v29 =	vmul.f32 v52, v29;
	v45 =	vmul.f32 v52, v53;
	v31 =	vld.idx.msk [tilespmem:v17+s14+$0x8050 ss:$0x1], $0xffff  }
0xa9: {  	v49 =	vmul.f32 v55, v49;
	v34 =	vsub.f32 v38, v34;
	v33 =	vmul.f32 v33, v46;
	v38 =	vld.idx.msk [tilespmem:v17+s14+$0x2050 ss:$0x1], $0xffff  }
0xaa: {  	v28 =	vmul.f32 v28, v53;
	v30 =	vmul.f32 v30, v54;
	v45 =	vadd.f32 v45, v47;
	v46 =	vld.idx.msk [tilespmem:v17+s14+$0x8020 ss:$0x1], $0xffff  }
0xab: {  	v47 =	vadd.f32 $0.0e+00, v49;
	v33 =	vadd.f32 $0.0e+00, v33;
	v34 =	vmul.f32 v34, v48;
	v48 =	vld.idx.msk [tilespmem:v17+s14+$0x2020 ss:$0x1], $0xffff  }
0xac: {  	v37 =	vsub.f32 v43, v37;
	v28 =	vsub.f32 v29, v28;
	v32 =	vmul.f32 v39, v32;
	v39 =	vld.idx.msk [tilespmem:v17+s14+$0x8060 ss:$0x1], $0xffff  }
0xad: {  	v29 =	vadd.f32 v47, v30;
	v30 =	vadd.f32 v33, v34;
	v33 =	vmul.f32 v45, v44;
	v34 =	vld.idx.msk [tilespmem:v17+s14+$0x2060 ss:$0x1], $0xffff  }
0xae: {  	v22 =	vmul.f32 v22, v23;
	v36 =	vadd.f32 v36, v50;
	v31 =	vmul.f32 v37, v31;
	v37 =	vld.idx.msk [tilespmem:v17+s14+$0x8030 ss:$0x1], $0xffff  }
0xaf: {  	v23 =	vadd.f32 v32, v29;
	v29 =	vadd.f32 v33, v30;
	v28 =	vmul.f32 v28, v38;
	v30 =	vld.idx.msk [tilespmem:v17+s14+$0x2030 ss:$0x1], $0xffff  }
0xb0: {  	v27 =	vsub.f32 v27, v35;
	v22 =	vsub.f32 v40, v22;
	v32 =	vmul.f32 v42, v46;
	v33 =	vld.idx.msk [tilespmem:v17+s14+$0x8070 ss:$0x1], $0xffff  }
0xb1: {  	v23 =	vadd.f32 v23, v31;
	v28 =	vadd.f32 v29, v28;
	v29 =	vmul.f32 v36, v48;
	v31 =	vld.idx.msk [tilespmem:v17+s14+$0x2070 ss:$0x1], $0xffff  }
0xb2: {  	v25 =	vadd.f32 v26, v25;
	v18 =	vmul.f32 v18, v19;
	v27 =	vmul.f32 v27, v39  }
0xb3: {  	v19 =	vadd.f32 v32, v23;
	v23 =	vadd.f32 v29, v28;
	v22 =	vmul.f32 v22, v34  }
0xb4: {  	v20 =	vsub.f32 v20, v21;
	v18 =	vsub.f32 v24, v18;
	v26 =	vmul.f32 v41, v37  }
0xb5: {  	v19 =	vadd.f32 v19, v27;
	v21 =	vadd.f32 v23, v22;
	v22 =	vmul.f32 v25, v30  }
0xb6: {  	v20 =	vmul.f32 v20, v33  }
0xb7: {  	v19 =	vadd.f32 v26, v19;
	v21 =	vadd.f32 v22, v21;
	v18 =	vmul.f32 v18, v31;
	_ =	sdelay $0x1  }
0xb8: {  	v19 =	vadd.f32 v19, v20;
	v18 =	vadd.f32 v21, v18;
	_ =	sdelay $0x1  }
0xb9: {  	v18 =	vsub.f32 v19, v18  }
0xba: {  	s0 =	sadd.s32 $0x10, s0  }
0xbb: {  	s14 =	sshra.s32 s15, $0x2;
	[tilespmem:s0+$0x0] =	vst v18  }
0xbc: {  	v21 =	vld.idx.msk [tilespmem:v17+s14+$0xA030 ss:$0x1], $0xffff  }
0xbd: {  	v20 =	vld.idx.msk [tilespmem:v17+s14+$0x6030 ss:$0x1], $0xffff  }
0xbe: {  	v24 =	vld.idx.msk [tilespmem:v17+s14+$0xA070 ss:$0x1], $0xffff  }
0xbf: {  	v25 =	vld.idx.msk [tilespmem:v17+s14+$0x6070 ss:$0x1], $0xffff  }
0xc0: {  	v18 =	vld.idx.msk [tilespmem:v17+s14+$0x4030 ss:$0x1], $0xffff  }
0xc1: {  	v27 =	vld.idx.msk [tilespmem:v17+s14+$0x30 ss:$0x1], $0xffff  }
0xc2: {  	v45 =	vld.idx.msk [tilespmem:v17+s14+$0x4070 ss:$0x1], $0xffff  }
0xc3: {  	v19 =	vld.idx.msk [tilespmem:v17+s14+$0x70 ss:$0x1], $0xffff  }
0xc4: {  	v35 =	vld.idx.msk [tilespmem:v17+s14+$0xA020 ss:$0x1], $0xffff  }
0xc5: {  	v49 =	vld.idx.msk [tilespmem:v17+s14+$0x6020 ss:$0x1], $0xffff  }
0xc6: {  	v42 =	vld.idx.msk [tilespmem:v17+s14+$0xA060 ss:$0x1], $0xffff  }
0xc7: {  	v44 =	vld.idx.msk [tilespmem:v17+s14+$0x6060 ss:$0x1], $0xffff  }
0xc8: {  	v22 =	vld.idx.msk [tilespmem:v17+s14+$0x4020 ss:$0x1], $0xffff  }
0xc9: {  	v40 =	vld.idx.msk [tilespmem:v17+s14+$0x20 ss:$0x1], $0xffff  }
0xca: {  	v36 =	vld.idx.msk [tilespmem:v17+s14+$0x4060 ss:$0x1], $0xffff  }
0xcb: {  	v23 =	vld.idx.msk [tilespmem:v17+s14+$0x60 ss:$0x1], $0xffff  }
0xcc: {  	v37 =	vld.idx.msk [tilespmem:v17+s14+$0xA010 ss:$0x1], $0xffff  }
0xcd: {  	v43 =	vld.idx.msk [tilespmem:v17+s14+$0x6010 ss:$0x1], $0xffff  }
0xce: {  	v39 =	vld.idx.msk [tilespmem:v17+s14+$0xA050 ss:$0x1], $0xffff  }
0xcf: {  	v41 =	vld.idx.msk [tilespmem:v17+s14+$0x6050 ss:$0x1], $0xffff  }
0xd0: {  	v28 =	vld.idx.msk [tilespmem:v17+s14+$0x4010 ss:$0x1], $0xffff  }
0xd1: {  	v29 =	vld.idx.msk [tilespmem:v17+s14+$0x10 ss:$0x1], $0xffff  }
0xd2: {  	v30 =	vld.idx.msk [tilespmem:v17+s14+$0xA000 ss:$0x1], $0xffff  }
0xd3: {  	v31 =	vld.idx.msk [tilespmem:v17+s14+$0x6000 ss:$0x1], $0xffff  }
.Ltmp0:
0xd4: {  	v46 =	vmul.f32 v21, v20;
	v32 =	vld.idx.msk [tilespmem:v17+s14+$0xA040 ss:$0x1], $0xffff;
	(pc) =	sbr.rel @p0 .LBB2_4-.Ltmp0, $4  }
0xd5: {  	v20 =	vmul.f32 v24, v20;
	v21 =	vmul.f32 v21, v25;
	v33 =	vld.idx.msk [tilespmem:v17+s14+$0x6040 ss:$0x1], $0xffff  }
0xd6: {  	v47 =	vmul.f32 v24, v25;
	v25 =	vmul.f32 v18, v27;
	v34 =	vld.idx.msk [tilespmem:v17+s14+$0x4000 ss:$0x1], $0xffff  }
0xd7: {  	v24 =	vmul.f32 v45, v27;
	v26 =	vmul.f32 v45, v19;
	v38 =	vld.idx.msk [tilespmem:v17+s14+$0x0 ss:$0x1], $0xffff  }
0xd8: {  	s15 =	sadd.s32 $0x200, s15;
	v48 =	vmul.f32 v35, v49;
	v27 =	vmul.f32 v42, v49;
	v45 =	vld.idx.msk [tilespmem:v17+s14+$0x4040 ss:$0x1], $0xffff  }
0xd9: {  	_ =	sdelay $0x1  }
0xda: {  	v42 =	vmul.f32 v42, v44  }
0xdb: {  	v35 =	vmul.f32 v35, v44;
	v49 =	vmul.f32 v22, v40  }
0xdc: {  	v44 =	vld.idx.msk [tilespmem:v17+s14+$0x40 ss:$0x1], $0xffff;
	v40 =	vmul.f32 v36, v40;
	v51 =	vmul.f32 v37, v43  }
0xdd: {  	v50 =	vld.idx.msk [tilespmem:v17+s14+$0x8000 ss:$0x1], $0xffff;
	v36 =	vmul.f32 v36, v23;
	v43 =	vmul.f32 v39, v43  }
0xde: {  	v52 =	vld.idx.msk [tilespmem:v17+s14+$0x4050 ss:$0x1], $0xffff;
	v37 =	vmul.f32 v37, v41;
	v62 =	vmul.f32 v39, v41  }
0xdf: {  	v53 =	vld.idx.msk [tilespmem:v17+s14+$0x50 ss:$0x1], $0xffff;
	v41 =	vadd.f32 v47, v46;
	v46 =	vmul.f32 v28, v29;
	v54 =	vmul.f32 v30, v31  }
0xe0: {  	v47 =	vld.idx.msk [tilespmem:v17+s14+$0x2000 ss:$0x1], $0xffff;
	v59 =	vmul.f32 v32, v31;
	v55 =	vmul.f32 v32, v33  }
0xe1: {  	v42 =	vadd.f32 v42, v48;
	v48 =	vld.idx.msk [tilespmem:v17+s14+$0x8040 ss:$0x1], $0xffff;
	v63 =	vmul.f32 v34, v38;
	v56 =	vmul.f32 v45, v44  }
0xe2: {  	v57 =	vld.idx.msk [tilespmem:v17+s14+$0x2040 ss:$0x1], $0xffff;
	v60 =	vmul.f32 v30, v33;
	v39 =	vadd.f32 v62, v51;
	v54 =	vadd.f32 v55, v54  }
0xe3: {  	v32 =	vld.idx.msk [tilespmem:v17+s14+$0x8010 ss:$0x1], $0xffff;
	v62 =	vmul.f32 v45, v38;
	v61 =	vadd.f32 v56, v63;
	v63 =	vmul.f32 v34, v44  }
0xe4: {  	v30 =	vsub.f32 v59, v60;
	v55 =	vmul.f32 v52, v53;
	v50 =	vmul.f32 v54, v50;
	v44 =	vld.idx.msk [tilespmem:v17+s14+$0x2010 ss:$0x1], $0xffff  }
0xe5: {  	v58 =	vld.idx.msk [tilespmem:v17+s14+$0x8050 ss:$0x1], $0xffff;
	v60 =	vmul.f32 v28, v53;
	v33 =	vmul.f32 v61, v47;
	v34 =	vsub.f32 v62, v63  }
0xe6: {  	v59 =	vld.idx.msk [tilespmem:v17+s14+$0x2050 ss:$0x1], $0xffff;
	v56 =	vmul.f32 v52, v29;
	v30 =	vmul.f32 v30, v48;
	v31 =	vadd.f32 v55, v46  }
0xe7: {  	v61 =	vld.idx.msk [tilespmem:v17+s14+$0x8020 ss:$0x1], $0xffff;
	v62 =	vadd.f32 $0.0e+00, v50;
	v33 =	vadd.f32 $0.0e+00, v33;
	v34 =	vmul.f32 v34, v57  }
0xe8: {  	v37 =	vsub.f32 v43, v37;
	v32 =	vmul.f32 v39, v32;
	v63 =	vld.idx.msk [tilespmem:v17+s14+$0x2020 ss:$0x1], $0xffff;
	v28 =	vsub.f32 v56, v60  }
0xe9: {  	v43 =	vld.idx.msk [tilespmem:v17+s14+$0x8060 ss:$0x1], $0xffff;
	v30 =	vadd.f32 v62, v30;
	v31 =	vmul.f32 v31, v44;
	v33 =	vadd.f32 v33, v34  }
0xea: {  	v36 =	vadd.f32 v36, v49;
	v37 =	vmul.f32 v37, v58;
	v47 =	vld.idx.msk [tilespmem:v17+s14+$0x2060 ss:$0x1], $0xffff;
	v50 =	vmul.f32 v22, v23  }
0xeb: {  	v51 =	vld.idx.msk [tilespmem:v17+s14+$0x8030 ss:$0x1], $0xffff;
	v28 =	vmul.f32 v28, v59;
	v30 =	vadd.f32 v32, v30;
	v31 =	vadd.f32 v31, v33  }
0xec: {  	v27 =	vsub.f32 v27, v35;
	v52 =	vld.idx.msk [tilespmem:v17+s14+$0x2030 ss:$0x1], $0xffff;
	v22 =	vsub.f32 v40, v50;
	v53 =	vmul.f32 v42, v61  }
0xed: {  	v54 =	vld.idx.msk [tilespmem:v17+s14+$0x8070 ss:$0x1], $0xffff;
	v55 =	vmul.f32 v36, v63;
	v30 =	vadd.f32 v30, v37;
	v28 =	vadd.f32 v31, v28  }
0xee: {  	v25 =	vadd.f32 v26, v25;
	v18 =	vmul.f32 v18, v19;
	v27 =	vmul.f32 v27, v43;
	v17 =	vld.idx.msk [tilespmem:v17+s14+$0x2070 ss:$0x1], $0xffff  }
0xef: {  	v22 =	vmul.f32 v22, v47;
	v19 =	vadd.f32 v53, v30;
	v56 =	vadd.f32 v55, v28  }
0xf0: {  	v20 =	vsub.f32 v20, v21;
	v18 =	vsub.f32 v24, v18;
	v23 =	vmul.f32 v41, v51  }
0xf1: {  	v58 =	vmul.f32 v25, v52;
	v19 =	vadd.f32 v19, v27;
	v57 =	vadd.f32 v56, v22  }
0xf2: {  	v20 =	vmul.f32 v20, v54  }
0xf3: {  	v17 =	vmul.f32 v18, v17;
	v19 =	vadd.f32 v23, v19;
	v21 =	vadd.f32 v58, v57;
	_ =	sdelay $0x1  }
0xf4: {  	v18 =	vadd.f32 v19, v20;
	v17 =	vadd.f32 v21, v17;
	_ =	sdelay $0x1  }
0xf5: {  	v17 =	vsub.f32 v18, v17  }
0xf6: {  	s0 =	sadd.s32 $0x10, s0  }
0xf7: {  	[tilespmem:s0+$0x0] =	vst v17  }
0xf8: {  	v17 =	vld.idx.msk [tilespmem:v0+s26+$0x0], $0xffff;
	_ =	sdelay $0x1  }
0xf9: {  	v18 =	vld.idx.msk [tilespmem:v1+s26+$0x0], $0xffff;
	_ =	sdelay $0x1  }
0xfa: {  	v19 =	vld.idx.msk [tilespmem:v2+s26+$0x0], $0xffff  }
0xfb: {  	v17 =	vadd.f32 $0.0e+00, v17  }
0xfc: {  	v59 =	vld.idx.msk [tilespmem:v3+s26+$0x0], $0xffff  }
0xfd: {  	v17 =	vadd.f32 v18, v17  }
0xfe: {  	v18 =	vld.idx.msk [tilespmem:v4+s26+$0x0], $0xffff  }
0xff: {  	v17 =	vadd.f32 v19, v17  }
0x100: {  	v19 =	vld.idx.msk [tilespmem:v5+s26+$0x0], $0xffff  }
0x101: {  	v17 =	vadd.f32 v59, v17  }
0x102: {  	v60 =	vld.idx.msk [tilespmem:v6+s26+$0x0], $0xffff  }
0x103: {  	v17 =	vadd.f32 v18, v17  }
0x104: {  	v18 =	vld.idx.msk [tilespmem:v7+s26+$0x0], $0xffff  }
0x105: {  	v17 =	vadd.f32 v19, v17  }
0x106: {  	v19 =	vld.idx.msk [tilespmem:v8+s26+$0x0], $0xffff  }
0x107: {  	v17 =	vadd.f32 v60, v17  }
0x108: {  	v61 =	vld.idx.msk [tilespmem:v9+s26+$0x0], $0xffff  }
0x109: {  	v17 =	vadd.f32 v18, v17  }
0x10a: {  	v18 =	vld.idx.msk [tilespmem:v10+s26+$0x0], $0xffff  }
0x10b: {  	v17 =	vadd.f32 v19, v17  }
0x10c: {  	v19 =	vld.idx.msk [tilespmem:v11+s26+$0x0], $0xffff  }
0x10d: {  	v17 =	vadd.f32 v61, v17  }
0x10e: {  	v62 =	vld.idx.msk [tilespmem:v12+s26+$0x0], $0xffff  }
0x10f: {  	v17 =	vadd.f32 v18, v17  }
0x110: {  	v18 =	vld.idx.msk [tilespmem:v13+s26+$0x0], $0xffff  }
0x111: {  	v17 =	vadd.f32 v19, v17  }
0x112: {  	v19 =	vld.idx.msk [tilespmem:v14+s26+$0x0], $0xffff  }
0x113: {  	v17 =	vadd.f32 v62, v17  }
0x114: {  	v63 =	vld.idx.msk [tilespmem:v15+s26+$0x0], $0xffff  }
0x115: {  	v17 =	vadd.f32 v18, v17;
	_ =	sdelay $0x1  }
0x116: {  	v17 =	vadd.f32 v19, v17  }
0x117: {  	s1 =	sadd.s32 $0x1, s1  }
0x118: {  	p0 =	sne.s32 s1, $0x4;
	v17 =	vadd.f32 v63, v17  }
.Ltmp1:
0x119: {  	_ = 	snop;
	(pc) =	sbr.rel @p0 .LBB2_3-.Ltmp1, $3  }
0x11a: {  	v17 =	vadd.f32 $1.000000000e+00, v17;
	_ =	sdelay $0x1  }
0x11b: {  	v17 =	vmax.f32 v17, $0.0e+00  }
0x11c: {  	s31 =	sadd.s32 $0x800, s31;
	v16 =	vadd.f32 v17, v16  }
0x11d: {  	s30 =	sadd.s32 $0x1, s30  }
0x11e: {  	p0 =	sne.s32 s30, $0x8  }
.Ltmp2:
0x11f: {  	_ = 	snop;
	(pc) =	sbr.rel @p0 .LBB2_2-.Ltmp2, $1  }
0x120: {  	_ =	sdelay $0x3  }
0x121: {  	s29 =	sadd.s32 $0x1, s29  }
0x122: {  	p0 =	sne.s32 s29, s12  }
.Ltmp3:
0x123: {  	[tilespmem:$0xCD00] =	vst v16;
	(pc) =	sbr.rel @p0 .LBB2_1-.Ltmp3, $4  }
0x124: {  	[hbm4b:s11+s2] =	stream.linear.scatter [tilespmem:s28], [sflag:$0x2], $0x10, $0x38;
	[tilespmem:$0xCD10] =	vst v63  }
0x125: {  	_ =	swait.ge [sflag:s13], $0x10  }
0x126: {  	[sflag:s13] =	ssyncset.done $0x0  }
0x127: {  	[sflag:s13] =	ssyncadd.s32 $0xFFFFFFF0  }
0x128: {  	_ =	sfence.sel $0x180000  }
0x129: {  	[bflag:$0x0] =	sbarrier.arrive $0xFFFF  }
0x12a: {  	_ =	strace $0x90000047  }
0x12b: {  	s0 =	stileid.u32;
	[bflag:$0x2] =	sbarrier.arrive $0xFFFF  }
0x12c: {  	p0 =	sne.s32 s0, $0x0;
	s0 =	rddreg [dreg:$0x1]  }
0x12d: {  	s0 =	sadd.s32 @!p0 $0x100000, s0  }
0x12e: {  	[sflag:s0] =	ssyncadd.tile.s32 @!p0 $0x1;
	_ =	shalt  }
.Lfunc_end2:
_tile_overlayer_lowered:
.L_overlay_start_2:
0x12f: {  	(tag) =	ssettag $0x2  }
0x130: {  	s0 =	rddreg [dreg:$0x0];
	s2 =	stileid.u32  }
0x131: {  	s1 =	rddreg [dreg:$0x1];
	p0 =	sne.s32 s2, $0x0  }
0x132: {  	s3 =	rddreg [dreg:$0x2];
	[bflag:$0x3] =	sbarrier.arrive $0xFFFF;
	s2 =	simm.s32 @!p0 $0x1C02  }
0x133: {  	[timem:s3], [sflag:s2] =	dma.local @!p0 [hbm:s0], s1  }
0x134: {  	s0 =	simm.s32 @!p0 $0x2  }
0x135: {  	_ =	swait.ge @!p0 [sflag:s0], s1  }
0x136: {  	s1 =	ssub.s32 @!p0 $0x0, s1;
	[sflag:s0] =	ssyncset.done @!p0 $0x0  }
0x137: {  	[sflag:s0] =	ssyncadd.s32 @!p0 s1  }
0x138: {  	[bflag:$0x3] =	sbarrier.arrive $0xFFFF  }
0x139: {  	_ =	shalt  }

</sc_bundles>
